<compile_context>
chip_gen: v7x
topology: tpu7x:2x2x1
jax: 0.10.2.dev20260603
libtpu: 0.0.44.dev20260713+nightly
codegen_flags: <defaults>
</compile_context>

<pallas_src>
import functools

import jax
import jax.numpy as jnp
from jax import lax
from jax.experimental import pallas as pl
from jax.experimental.pallas import tpu as pltpu
from jax.experimental.pallas import tpu_sc as plsc

NC = 2
NS = 16
NW = NC * NS
D = 64
V = 1000
T = 50
L = 16
QW = 512
QB = 256


def _make_kernel(Q):
    n_blk = T * (QW // QB)
    mesh = plsc.VectorSubcoreMesh(core_axis_name="c", subcore_axis_name="s")

    @functools.partial(
        pl.kernel,
        mesh=mesh,
        out_type=jax.ShapeDtypeStruct((T, D, Q), jnp.float32),
        scratch_types=[
            pltpu.VMEM((V * D,), jnp.float32),
            pltpu.VMEM((T * QW,), jnp.int32),
            pltpu.VMEM((2, D, QB), jnp.float32),
            pltpu.SemaphoreType.DMA,
            pltpu.SemaphoreType.DMA,
        ],
        compiler_params=pltpu.CompilerParams(
            use_tc_tiling_on_sc=True, needs_layout_passes=False
        ),
    )
    def k(idx_hbm, tab_hbm, out_hbm, tab_v, idx_v, buf_v, sem0, sem1):
        wid = lax.axis_index("s") * NC + lax.axis_index("c")
        wq0 = wid * QW
        pltpu.sync_copy(tab_hbm, tab_v)
        pltpu.sync_copy(idx_hbm.at[wid], idx_v)
        def fill(b, par):
            @plsc.parallel_loop(0, QB // L, unroll=4)
            def _qb(qb):
                idx16 = idx_v[pl.ds(b * QB + qb * L, L)]
                pend = []
                for d in range(D):
                    row = plsc.load_gather(tab_v.at[pl.ds(d * V, V)], [idx16])
                    pend.append((d, row))
                    if len(pend) > 8:
                        dd, r = pend.pop(0)
                        buf_v[par, dd, pl.ds(qb * L, L)] = r
                for dd, r in pend:
                    buf_v[par, dd, pl.ds(qb * L, L)] = r

        def write(b, p):
            t = b >> 1
            q = wq0 + (b & 1) * QB
            pltpu.async_copy(
                buf_v.at[p], out_hbm.at[t, :, pl.ds(q, QB)], [sem0, sem1][p]
            )

        def drain(p):
            pltpu.make_async_copy(
                out_hbm.at[0, :, pl.ds(0, QB)], buf_v.at[p], [sem0, sem1][p]
            ).wait()

        def body(b, carry):
            par = b & 1

            @pl.when(jnp.logical_and(b >= 2, par == 0))
            def _():
                drain(0)

            @pl.when(jnp.logical_and(b >= 2, par == 1))
            def _():
                drain(1)

            fill(b, par)

            @pl.when(par == 0)
            def _():
                write(b, 0)

            @pl.when(par == 1)
            def _():
                write(b, 1)

            return carry

        lax.fori_loop(0, n_blk, body, 0)
        drain(0)
        drain(1)

    return k


def kernel(action_id, embedding_table):
    Q, _ = action_id.shape
    idxT = jnp.transpose(action_id).astype(jnp.int32)
    idx2 = idxT.reshape(T, NW, QW).transpose(1, 0, 2).reshape(NW, T * QW)
    tabf = jnp.transpose(embedding_table).reshape(-1)
    out = _make_kernel(Q)(idx2, tabf)
    return jnp.transpose(out, (2, 0, 1))

# --- scband reference (transcript-rebuilt; emitter-appended) ---
"""Pipeline reference for scband-action-encoder-27436251087303 (READ-ONLY COPY).

The authoritative reference and input builder live on the scoring server;
editing this copy changes nothing except your own understanding.
"""

import jax, jax.numpy as jnp
import numpy as np

CATEGORIZATION_NUM = 1000
LATENT_DIM = 64

def setup_inputs(seed: int = 0) -> dict:
    key = jax.random.key(seed)
    k1, k2 = jax.random.split(key)
    action_id = jax.random.randint(k1, (16384, 50), 0, CATEGORIZATION_NUM, dtype=jnp.int64 if jax.config.jax_enable_x64 else jnp.int32)
    # nn.Embedding default init: N(0, 1)
    embedding_table = jax.random.normal(k2, (CATEGORIZATION_NUM, LATENT_DIM), dtype=jnp.float32)
    return {"action_id": action_id, "embedding_table": embedding_table}

def reference(action_id, embedding_table):
    # Faithful translation of nn.Embedding lookup: table[idx]
    return jnp.take(embedding_table, action_id, axis=0)

if __name__ == "__main__":
    import jax
    _d = setup_inputs()
    print(jax.jit(kernel)(*tuple(_d.values())))

</pallas_src>

<mosaic_0001>
#map = affine_map<(d0, d1) -> (0, 0)>
#map1 = affine_map<(d0, d1) -> (0)>
#map2 = affine_map<(d0, d1) -> (0, 0, 0)>
module attributes {stable_mosaic.version = 14 : i64} {
  func.func @k(%arg0: i32, %arg1: i32, %arg2: memref<32x25600xi32, #tpu.memory_space<hbm>>, %arg3: memref<64000xf32, #tpu.memory_space<hbm>>, %arg4: memref<50x64x16384xf32, #tpu.memory_space<hbm>>, %arg5: memref<64000xf32, #tpu.memory_space<vmem>>, %arg6: memref<25600xi32, #tpu.memory_space<vmem>>, %arg7: memref<2x64x256xf32, #tpu.memory_space<vmem>>, %arg8: memref<!tpu.dma_semaphore, #tpu.memory_space<semaphore_mem>>, %arg9: memref<!tpu.dma_semaphore, #tpu.memory_space<semaphore_mem>>) attributes {dimension_semantics = [#tpu.dimension_semantics<core_parallel>, #tpu.dimension_semantics<subcore_parallel>], iteration_bounds = array<i64: 2, 16>, scalar_prefetch = 0 : i64, scratch_operands = 5 : i64, tpu.core_type = #tpu.core_type<sc_vector_subcore>, window_params = [{transform_indices = #map}, {transform_indices = #map1}, {transform_indices = #map2}]} {
    %mul3A = arith.constant 2 : i32
    %mul3A_0 = arith.muli %arg1, %mul3A : i32
    %add3A = arith.addi %mul3A_0, %arg0 : i32
    %mul3A_1 = arith.constant 512 : i32
    %mul3A_2 = arith.muli %add3A, %mul3A_1 : i32
    "tpu.region"() ({
      %run_scoped3A = tpu.sem_alloc : memref<!tpu.dma_semaphore, #tpu.memory_space<semaphore_mem>>
      tpu.enqueue_dma source(%arg3 : memref<64000xf32, #tpu.memory_space<hbm>>) target(%arg5 : memref<64000xf32, #tpu.memory_space<vmem>>) target_semaphore(%run_scoped3A : memref<!tpu.dma_semaphore, #tpu.memory_space<semaphore_mem>>)
      tpu.wait_dma2 semaphore(%run_scoped3A : memref<!tpu.dma_semaphore, #tpu.memory_space<semaphore_mem>>) src(%arg3 : memref<64000xf32, #tpu.memory_space<hbm>>) dst(%arg5 : memref<64000xf32, #tpu.memory_space<vmem>>)
      tpu.yield
    }) : () -> ()
    "tpu.region"() ({
      %run_scoped3A = tpu.sem_alloc : memref<!tpu.dma_semaphore, #tpu.memory_space<semaphore_mem>>
      %dma_start3A = arith.constant 0 : i32
      %dma_start3A_43 = tpu.memref_slice %arg2[%add3A, %dma_start3A] : memref<32x25600xi32, #tpu.memory_space<hbm>> -> memref<1x25600xi32, #tpu.memory_space<hbm>>
      %dma_start3A_44 = tpu.memref_squeeze %dma_start3A_43 : memref<1x25600xi32, #tpu.memory_space<hbm>> -> memref<25600xi32, #tpu.memory_space<hbm>>
      %dma_start3A_45 = arith.constant 0 : i32
      %dma_start3A_46 = tpu.memref_slice %arg2[%add3A, %dma_start3A_45] : memref<32x25600xi32, #tpu.memory_space<hbm>> -> memref<1x25600xi32, #tpu.memory_space<hbm>>
      %dma_start3A_47 = tpu.memref_squeeze %dma_start3A_46 : memref<1x25600xi32, #tpu.memory_space<hbm>> -> memref<25600xi32, #tpu.memory_space<hbm>>
      tpu.enqueue_dma source(%dma_start3A_47 : memref<25600xi32, #tpu.memory_space<hbm>>) target(%arg6 : memref<25600xi32, #tpu.memory_space<vmem>>) target_semaphore(%run_scoped3A : memref<!tpu.dma_semaphore, #tpu.memory_space<semaphore_mem>>)
      %dma_wait3A_48 = arith.constant 0 : i32
      %dma_wait3A_49 = tpu.memref_slice %arg2[%add3A, %dma_wait3A_48] : memref<32x25600xi32, #tpu.memory_space<hbm>> -> memref<1x25600xi32, #tpu.memory_space<hbm>>
      %dma_wait3A_50 = tpu.memref_squeeze %dma_wait3A_49 : memref<1x25600xi32, #tpu.memory_space<hbm>> -> memref<25600xi32, #tpu.memory_space<hbm>>
      %dma_wait3A_51 = arith.constant 0 : i32
      %dma_wait3A_52 = tpu.memref_slice %arg2[%add3A, %dma_wait3A_51] : memref<32x25600xi32, #tpu.memory_space<hbm>> -> memref<1x25600xi32, #tpu.memory_space<hbm>>
      %dma_wait3A_53 = tpu.memref_squeeze %dma_wait3A_52 : memref<1x25600xi32, #tpu.memory_space<hbm>> -> memref<25600xi32, #tpu.memory_space<hbm>>
      tpu.wait_dma2 semaphore(%run_scoped3A : memref<!tpu.dma_semaphore, #tpu.memory_space<semaphore_mem>>) src(%dma_wait3A_53 : memref<25600xi32, #tpu.memory_space<hbm>>) dst(%arg6 : memref<25600xi32, #tpu.memory_space<vmem>>)
      tpu.yield
    }) : () -> ()
    %scan3A = arith.constant 0 : i32
    %scan3A_3 = arith.constant 0 : i32
    %scan3A_4 = arith.constant 100 : i32
    %scan3A_5 = arith.addi %scan3A_3, %scan3A_4 : i32
    %scan3A_6 = arith.constant 1 : i32
    scf.for %scan3A_43 = %scan3A_3 to %scan3A_5 step %scan3A_6  : i32 {
      %and3A = arith.constant 1 : i32
      %and3A_44 = arith.andi %scan3A_43, %and3A : i32
      %ge3A = arith.constant 2 : i32
      %ge3A_45 = arith.cmpi sge, %scan3A_43, %ge3A : i32
      %eq3A = arith.constant 0 : i32
      %eq3A_46 = arith.cmpi eq, %and3A_44, %eq3A : i32
      %and3A_47 = arith.andi %ge3A_45, %eq3A_46 : i1
      %convert_element_type3A = arith.extui %and3A_47 : i1 to i32
      %cond3A = arith.constant 0 : i32
      %cond3A_48 = arith.cmpi ne, %convert_element_type3A, %cond3A : i32
      scf.if %cond3A_48 {
        %dma_wait3A_69 = arith.constant 0 : i32
        %dma_wait3A_70 = arith.constant 0 : i32
        %dma_wait3A_71 = arith.constant 0 : i32
        %dma_wait3A_72 = arith.constant 0 : i32
        %dma_wait3A_73 = tpu.memref_slice %arg7[%dma_wait3A_70, %dma_wait3A_71, %dma_wait3A_72] : memref<2x64x256xf32, #tpu.memory_space<vmem>> -> memref<1x64x256xf32, #tpu.memory_space<vmem>>
        %dma_wait3A_74 = tpu.memref_squeeze %dma_wait3A_73 : memref<1x64x256xf32, #tpu.memory_space<vmem>> -> memref<64x256xf32, #tpu.memory_space<vmem>>
        %dma_wait3A_75 = arith.constant 0 : i32
        %dma_wait3A_76 = arith.constant 0 : i32
        %dma_wait3A_77 = tpu.memref_slice %arg4[%dma_wait3A_69, %dma_wait3A_75, %dma_wait3A_76] : memref<50x64x16384xf32, #tpu.memory_space<hbm>> -> memref<1x64x256xf32, #tpu.memory_space<hbm>>
        %dma_wait3A_78 = tpu.memref_squeeze %dma_wait3A_77 : memref<1x64x256xf32, #tpu.memory_space<hbm>> -> memref<64x256xf32, #tpu.memory_space<hbm>>
        %dma_wait3A_79 = arith.constant 0 : i32
        %dma_wait3A_80 = arith.constant 0 : i32
        %dma_wait3A_81 = tpu.memref_slice %arg7[%dma_wait3A_70, %dma_wait3A_79, %dma_wait3A_80] : memref<2x64x256xf32, #tpu.memory_space<vmem>> -> memref<1x64x256xf32, #tpu.memory_space<vmem>>
        %dma_wait3A_82 = tpu.memref_squeeze %dma_wait3A_81 : memref<1x64x256xf32, #tpu.memory_space<vmem>> -> memref<64x256xf32, #tpu.memory_space<vmem>>
        %dma_wait3A_83 = arith.constant 0 : i32
        %dma_wait3A_84 = arith.constant 0 : i32
        %dma_wait3A_85 = tpu.memref_slice %arg4[%dma_wait3A_69, %dma_wait3A_83, %dma_wait3A_84] : memref<50x64x16384xf32, #tpu.memory_space<hbm>> -> memref<1x64x256xf32, #tpu.memory_space<hbm>>
        %dma_wait3A_86 = tpu.memref_squeeze %dma_wait3A_85 : memref<1x64x256xf32, #tpu.memory_space<hbm>> -> memref<64x256xf32, #tpu.memory_space<hbm>>
        tpu.wait_dma2 semaphore(%arg8 : memref<!tpu.dma_semaphore, #tpu.memory_space<semaphore_mem>>) src(%dma_wait3A_86 : memref<64x256xf32, #tpu.memory_space<hbm>>) dst(%dma_wait3A_82 : memref<64x256xf32, #tpu.memory_space<vmem>>)
      } else {
      }
      %ge3A_49 = arith.constant 2 : i32
      %ge3A_50 = arith.cmpi sge, %scan3A_43, %ge3A_49 : i32
      %eq3A_51 = arith.constant 1 : i32
      %eq3A_52 = arith.cmpi eq, %and3A_44, %eq3A_51 : i32
      %and3A_53 = arith.andi %ge3A_50, %eq3A_52 : i1
      %convert_element_type3A_54 = arith.extui %and3A_53 : i1 to i32
      %cond3A_55 = arith.constant 0 : i32
      %cond3A_56 = arith.cmpi ne, %convert_element_type3A_54, %cond3A_55 : i32
      scf.if %cond3A_56 {
        %dma_wait3A_69 = arith.constant 0 : i32
        %dma_wait3A_70 = arith.constant 1 : i32
        %dma_wait3A_71 = arith.constant 0 : i32
        %dma_wait3A_72 = arith.constant 0 : i32
        %dma_wait3A_73 = tpu.memref_slice %arg7[%dma_wait3A_70, %dma_wait3A_71, %dma_wait3A_72] : memref<2x64x256xf32, #tpu.memory_space<vmem>> -> memref<1x64x256xf32, #tpu.memory_space<vmem>>
        %dma_wait3A_74 = tpu.memref_squeeze %dma_wait3A_73 : memref<1x64x256xf32, #tpu.memory_space<vmem>> -> memref<64x256xf32, #tpu.memory_space<vmem>>
        %dma_wait3A_75 = arith.constant 0 : i32
        %dma_wait3A_76 = arith.constant 0 : i32
        %dma_wait3A_77 = tpu.memref_slice %arg4[%dma_wait3A_69, %dma_wait3A_75, %dma_wait3A_76] : memref<50x64x16384xf32, #tpu.memory_space<hbm>> -> memref<1x64x256xf32, #tpu.memory_space<hbm>>
        %dma_wait3A_78 = tpu.memref_squeeze %dma_wait3A_77 : memref<1x64x256xf32, #tpu.memory_space<hbm>> -> memref<64x256xf32, #tpu.memory_space<hbm>>
        %dma_wait3A_79 = arith.constant 0 : i32
        %dma_wait3A_80 = arith.constant 0 : i32
        %dma_wait3A_81 = tpu.memref_slice %arg7[%dma_wait3A_70, %dma_wait3A_79, %dma_wait3A_80] : memref<2x64x256xf32, #tpu.memory_space<vmem>> -> memref<1x64x256xf32, #tpu.memory_space<vmem>>
        %dma_wait3A_82 = tpu.memref_squeeze %dma_wait3A_81 : memref<1x64x256xf32, #tpu.memory_space<vmem>> -> memref<64x256xf32, #tpu.memory_space<vmem>>
        %dma_wait3A_83 = arith.constant 0 : i32
        %dma_wait3A_84 = arith.constant 0 : i32
        %dma_wait3A_85 = tpu.memref_slice %arg4[%dma_wait3A_69, %dma_wait3A_83, %dma_wait3A_84] : memref<50x64x16384xf32, #tpu.memory_space<hbm>> -> memref<1x64x256xf32, #tpu.memory_space<hbm>>
        %dma_wait3A_86 = tpu.memref_squeeze %dma_wait3A_85 : memref<1x64x256xf32, #tpu.memory_space<hbm>> -> memref<64x256xf32, #tpu.memory_space<hbm>>
        tpu.wait_dma2 semaphore(%arg9 : memref<!tpu.dma_semaphore, #tpu.memory_space<semaphore_mem>>) src(%dma_wait3A_86 : memref<64x256xf32, #tpu.memory_space<hbm>>) dst(%dma_wait3A_82 : memref<64x256xf32, #tpu.memory_space<vmem>>)
      } else {
      }
      %parallel_loop3A = arith.constant 0 : i32
      %parallel_loop3A_57 = arith.constant 16 : i32
      %parallel_loop3A_58 = arith.constant 1 : i32
      scf.for %parallel_loop3A_69 = %parallel_loop3A to %parallel_loop3A_57 step %parallel_loop3A_58  : i32 {
        %parallel_loop3A_70 = arith.constant 256 : i32
        %parallel_loop3A_71 = arith.muli %scan3A_43, %parallel_loop3A_70 : i32
        %parallel_loop3A_72 = arith.constant 16 : i32
        %parallel_loop3A_73 = arith.muli %parallel_loop3A_69, %parallel_loop3A_72 : i32
        %parallel_loop3A_74 = arith.addi %parallel_loop3A_71, %parallel_loop3A_73 : i32
        %parallel_loop3A_75 = arith.index_cast %parallel_loop3A_74 : i32 to index
        %parallel_loop3A_76 = tpu.vector_load %arg6[%parallel_loop3A_75] {strides = array<i32>} : memref<25600xi32, #tpu.memory_space<vmem>>, vector<16xi32>,
        %parallel_loop3A_77 = arith.constant 0 : i32
        %parallel_loop3A_78 = tpu.memref_slice %arg5[%parallel_loop3A_77] : memref<64000xf32, #tpu.memory_space<vmem>> -> memref<1000xf32, #tpu.memory_space<vmem>>
        %parallel_loop3A_79 = tpu.vector_load_idx %parallel_loop3A_78[%parallel_loop3A_76] : memref<1000xf32, #tpu.memory_space<vmem>>[vector<16xi32>], vector<16xf32>,
        %parallel_loop3A_80 = arith.constant 1000 : i32
        %parallel_loop3A_81 = tpu.memref_slice %arg5[%parallel_loop3A_80] : memref<64000xf32, #tpu.memory_space<vmem>> -> memref<1000xf32, #tpu.memory_space<vmem>>
        %parallel_loop3A_82 = tpu.vector_load_idx %parallel_loop3A_81[%parallel_loop3A_76] : memref<1000xf32, #tpu.memory_space<vmem>>[vector<16xi32>], vector<16xf32>,
        %parallel_loop3A_83 = arith.constant 2000 : i32
        %parallel_loop3A_84 = tpu.memref_slice %arg5[%parallel_loop3A_83] : memref<64000xf32, #tpu.memory_space<vmem>> -> memref<1000xf32, #tpu.memory_space<vmem>>
        %parallel_loop3A_85 = tpu.vector_load_idx %parallel_loop3A_84[%parallel_loop3A_76] : memref<1000xf32, #tpu.memory_space<vmem>>[vector<16xi32>], vector<16xf32>,
        %parallel_loop3A_86 = arith.constant 3000 : i32
        %parallel_loop3A_87 = tpu.memref_slice %arg5[%parallel_loop3A_86] : memref<64000xf32, #tpu.memory_space<vmem>> -> memref<1000xf32, #tpu.memory_space<vmem>>
        %parallel_loop3A_88 = tpu.vector_load_idx %parallel_loop3A_87[%parallel_loop3A_76] : memref<1000xf32, #tpu.memory_space<vmem>>[vector<16xi32>], vector<16xf32>,
        %parallel_loop3A_89 = arith.constant 4000 : i32
        %parallel_loop3A_90 = tpu.memref_slice %arg5[%parallel_loop3A_89] : memref<64000xf32, #tpu.memory_space<vmem>> -> memref<1000xf32, #tpu.memory_space<vmem>>
        %parallel_loop3A_91 = tpu.vector_load_idx %parallel_loop3A_90[%parallel_loop3A_76] : memref<1000xf32, #tpu.memory_space<vmem>>[vector<16xi32>], vector<16xf32>,
        %parallel_loop3A_92 = arith.constant 5000 : i32
        %parallel_loop3A_93 = tpu.memref_slice %arg5[%parallel_loop3A_92] : memref<64000xf32, #tpu.memory_space<vmem>> -> memref<1000xf32, #tpu.memory_space<vmem>>
        %parallel_loop3A_94 = tpu.vector_load_idx %parallel_loop3A_93[%parallel_loop3A_76] : memref<1000xf32, #tpu.memory_space<vmem>>[vector<16xi32>], vector<16xf32>,
        %parallel_loop3A_95 = arith.constant 6000 : i32
        %parallel_loop3A_96 = tpu.memref_slice %arg5[%parallel_loop3A_95] : memref<64000xf32, #tpu.memory_space<vmem>> -> memref<1000xf32, #tpu.memory_space<vmem>>
        %parallel_loop3A_97 = tpu.vector_load_idx %parallel_loop3A_96[%parallel_loop3A_76] : memref<1000xf32, #tpu.memory_space<vmem>>[vector<16xi32>], vector<16xf32>,
        %parallel_loop3A_98 = arith.constant 7000 : i32
        %parallel_loop3A_99 = tpu.memref_slice %arg5[%parallel_loop3A_98] : memref<64000xf32, #tpu.memory_space<vmem>> -> memref<1000xf32, #tpu.memory_space<vmem>>
        %parallel_loop3A_100 = tpu.vector_load_idx %parallel_loop3A_99[%parallel_loop3A_76] : memref<1000xf32, #tpu.memory_space<vmem>>[vector<16xi32>], vector<16xf32>,
        %parallel_loop3A_101 = arith.constant 8000 : i32
        %parallel_loop3A_102 = tpu.memref_slice %arg5[%parallel_loop3A_101] : memref<64000xf32, #tpu.memory_space<vmem>> -> memref<1000xf32, #tpu.memory_space<vmem>>
        %parallel_loop3A_103 = tpu.vector_load_idx %parallel_loop3A_102[%parallel_loop3A_76] : memref<1000xf32, #tpu.memory_space<vmem>>[vector<16xi32>], vector<16xf32>,
        %parallel_loop3A_104 = arith.constant 16 : i32
        %parallel_loop3A_105 = arith.muli %parallel_loop3A_69, %parallel_loop3A_104 : i32
        %parallel_loop3A_106 = arith.constant 0 : i32
        %parallel_loop3A_107 = arith.index_cast %and3A_44 : i32 to index
        %parallel_loop3A_108 = arith.index_cast %parallel_loop3A_106 : i32 to index
        %parallel_loop3A_109 = arith.index_cast %parallel_loop3A_105 : i32 to index
        %parallel_loop3A_110 = tpu.vector_load %arg7[%parallel_loop3A_107, %parallel_loop3A_108, %parallel_loop3A_109] {strides = array<i32>} : memref<2x64x256xf32, #tpu.memory_space<vmem>>, vector<16xf32>,
        tpu.vector_store %arg7[%parallel_loop3A_107, %parallel_loop3A_108, %parallel_loop3A_109], %parallel_loop3A_79 {strides = array<i32>} : memref<2x64x256xf32, #tpu.memory_space<vmem>>, vector<16xf32>,
        %parallel_loop3A_111 = arith.constant 9000 : i32
        %parallel_loop3A_112 = tpu.memref_slice %arg5[%parallel_loop3A_111] : memref<64000xf32, #tpu.memory_space<vmem>> -> memref<1000xf32, #tpu.memory_space<vmem>>
        %parallel_loop3A_113 = tpu.vector_load_idx %parallel_loop3A_112[%parallel_loop3A_76] : memref<1000xf32, #tpu.memory_space<vmem>>[vector<16xi32>], vector<16xf32>,
        %parallel_loop3A_114 = arith.constant 16 : i32
        %parallel_loop3A_115 = arith.muli %parallel_loop3A_69, %parallel_loop3A_114 : i32
        %parallel_loop3A_116 = arith.constant 1 : i32
        %parallel_loop3A_117 = arith.index_cast %and3A_44 : i32 to index
        %parallel_loop3A_118 = arith.index_cast %parallel_loop3A_116 : i32 to index
        %parallel_loop3A_119 = arith.index_cast %parallel_loop3A_115 : i32 to index
        %parallel_loop3A_120 = tpu.vector_load %arg7[%parallel_loop3A_117, %parallel_loop3A_118, %parallel_loop3A_119] {strides = array<i32>} : memref<2x64x256xf32, #tpu.memory_space<vmem>>, vector<16xf32>,
        tpu.vector_store %arg7[%parallel_loop3A_117, %parallel_loop3A_118, %parallel_loop3A_119], %parallel_loop3A_82 {strides = array<i32>} : memref<2x64x256xf32, #tpu.memory_space<vmem>>, vector<16xf32>,
        %parallel_loop3A_121 = arith.constant 10000 : i32
        %parallel_loop3A_122 = tpu.memref_slice %arg5[%parallel_loop3A_121] : memref<64000xf32, #tpu.memory_space<vmem>> -> memref<1000xf32, #tpu.memory_space<vmem>>
        %parallel_loop3A_123 = tpu.vector_load_idx %parallel_loop3A_122[%parallel_loop3A_76] : memref<1000xf32, #tpu.memory_space<vmem>>[vector<16xi32>], vector<16xf32>,
        %parallel_loop3A_124 = arith.constant 16 : i32
        %parallel_loop3A_125 = arith.muli %parallel_loop3A_69, %parallel_loop3A_124 : i32
        %parallel_loop3A_126 = arith.constant 2 : i32
        %parallel_loop3A_127 = arith.index_cast %and3A_44 : i32 to index
        %parallel_loop3A_128 = arith.index_cast %parallel_loop3A_126 : i32 to index
        %parallel_loop3A_129 = arith.index_cast %parallel_loop3A_125 : i32 to index
        %parallel_loop3A_130 = tpu.vector_load %arg7[%parallel_loop3A_127, %parallel_loop3A_128, %parallel_loop3A_129] {strides = array<i32>} : memref<2x64x256xf32, #tpu.memory_space<vmem>>, vector<16xf32>,
        tpu.vector_store %arg7[%parallel_loop3A_127, %parallel_loop3A_128, %parallel_loop3A_129], %parallel_loop3A_85 {strides = array<i32>} : memref<2x64x256xf32, #tpu.memory_space<vmem>>, vector<16xf32>,
        %parallel_loop3A_131 = arith.constant 11000 : i32
        %parallel_loop3A_132 = tpu.memref_slice %arg5[%parallel_loop3A_131] : memref<64000xf32, #tpu.memory_space<vmem>> -> memref<1000xf32, #tpu.memory_space<vmem>>
        %parallel_loop3A_133 = tpu.vector_load_idx %parallel_loop3A_132[%parallel_loop3A_76] : memref<1000xf32, #tpu.memory_space<vmem>>[vector<16xi32>], vector<16xf32>,
        %parallel_loop3A_134 = arith.constant 16 : i32
        %parallel_loop3A_135 = arith.muli %parallel_loop3A_69, %parallel_loop3A_134 : i32
        %parallel_loop3A_136 = arith.constant 3 : i32
        %parallel_loop3A_137 = arith.index_cast %and3A_44 : i32 to index
        %parallel_loop3A_138 = arith.index_cast %parallel_loop3A_136 : i32 to index
        %parallel_loop3A_139 = arith.index_cast %parallel_loop3A_135 : i32 to index
        %parallel_loop3A_140 = tpu.vector_load %arg7[%parallel_loop3A_137, %parallel_loop3A_138, %parallel_loop3A_139] {strides = array<i32>} : memref<2x64x256xf32, #tpu.memory_space<vmem>>, vector<16xf32>,
        tpu.vector_store %arg7[%parallel_loop3A_137, %parallel_loop3A_138, %parallel_loop3A_139], %parallel_loop3A_88 {strides = array<i32>} : memref<2x64x256xf32, #tpu.memory_space<vmem>>, vector<16xf32>,
        %parallel_loop3A_141 = arith.constant 12000 : i32
        %parallel_loop3A_142 = tpu.memref_slice %arg5[%parallel_loop3A_141] : memref<64000xf32, #tpu.memory_space<vmem>> -> memref<1000xf32, #tpu.memory_space<vmem>>
        %parallel_loop3A_143 = tpu.vector_load_idx %parallel_loop3A_142[%parallel_loop3A_76] : memref<1000xf32, #tpu.memory_space<vmem>>[vector<16xi32>], vector<16xf32>,
        %parallel_loop3A_144 = arith.constant 16 : i32
        %parallel_loop3A_145 = arith.muli %parallel_loop3A_69, %parallel_loop3A_144 : i32
        %parallel_loop3A_146 = arith.constant 4 : i32
        %parallel_loop3A_147 = arith.index_cast %and3A_44 : i32 to index
        %parallel_loop3A_148 = arith.index_cast %parallel_loop3A_146 : i32 to index
        %parallel_loop3A_149 = arith.index_cast %parallel_loop3A_145 : i32 to index
        %parallel_loop3A_150 = tpu.vector_load %arg7[%parallel_loop3A_147, %parallel_loop3A_148, %parallel_loop3A_149] {strides = array<i32>} : memref<2x64x256xf32, #tpu.memory_space<vmem>>, vector<16xf32>,
        tpu.vector_store %arg7[%parallel_loop3A_147, %parallel_loop3A_148, %parallel_loop3A_149], %parallel_loop3A_91 {strides = array<i32>} : memref<2x64x256xf32, #tpu.memory_space<vmem>>, vector<16xf32>,
        %parallel_loop3A_151 = arith.constant 13000 : i32
        %parallel_loop3A_152 = tpu.memref_slice %arg5[%parallel_loop3A_151] : memref<64000xf32, #tpu.memory_space<vmem>> -> memref<1000xf32, #tpu.memory_space<vmem>>
        %parallel_loop3A_153 = tpu.vector_load_idx %parallel_loop3A_152[%parallel_loop3A_76] : memref<1000xf32, #tpu.memory_space<vmem>>[vector<16xi32>], vector<16xf32>,
        %parallel_loop3A_154 = arith.constant 16 : i32
        %parallel_loop3A_155 = arith.muli %parallel_loop3A_69, %parallel_loop3A_154 : i32
        %parallel_loop3A_156 = arith.constant 5 : i32
        %parallel_loop3A_157 = arith.index_cast %and3A_44 : i32 to index
        %parallel_loop3A_158 = arith.index_cast %parallel_loop3A_156 : i32 to index
        %parallel_loop3A_159 = arith.index_cast %parallel_loop3A_155 : i32 to index
        %parallel_loop3A_160 = tpu.vector_load %arg7[%parallel_loop3A_157, %parallel_loop3A_158, %parallel_loop3A_159] {strides = array<i32>} : memref<2x64x256xf32, #tpu.memory_space<vmem>>, vector<16xf32>,
        tpu.vector_store %arg7[%parallel_loop3A_157, %parallel_loop3A_158, %parallel_loop3A_159], %parallel_loop3A_94 {strides = array<i32>} : memref<2x64x256xf32, #tpu.memory_space<vmem>>, vector<16xf32>,
        %parallel_loop3A_161 = arith.constant 14000 : i32
        %parallel_loop3A_162 = tpu.memref_slice %arg5[%parallel_loop3A_161] : memref<64000xf32, #tpu.memory_space<vmem>> -> memref<1000xf32, #tpu.memory_space<vmem>>
        %parallel_loop3A_163 = tpu.vector_load_idx %parallel_loop3A_162[%parallel_loop3A_76] : memref<1000xf32, #tpu.memory_space<vmem>>[vector<16xi32>], vector<16xf32>,
        %parallel_loop3A_164 = arith.constant 16 : i32
        %parallel_loop3A_165 = arith.muli %parallel_loop3A_69, %parallel_loop3A_164 : i32
        %parallel_loop3A_166 = arith.constant 6 : i32
        %parallel_loop3A_167 = arith.index_cast %and3A_44 : i32 to index
        %parallel_loop3A_168 = arith.index_cast %parallel_loop3A_166 : i32 to index
        %parallel_loop3A_169 = arith.index_cast %parallel_loop3A_165 : i32 to index
        %parallel_loop3A_170 = tpu.vector_load %arg7[%parallel_loop3A_167, %parallel_loop3A_168, %parallel_loop3A_169] {strides = array<i32>} : memref<2x64x256xf32, #tpu.memory_space<vmem>>, vector<16xf32>,
        tpu.vector_store %arg7[%parallel_loop3A_167, %parallel_loop3A_168, %parallel_loop3A_169], %parallel_loop3A_97 {strides = array<i32>} : memref<2x64x256xf32, #tpu.memory_space<vmem>>, vector<16xf32>,
        %parallel_loop3A_171 = arith.constant 15000 : i32
        %parallel_loop3A_172 = tpu.memref_slice %arg5[%parallel_loop3A_171] : memref<64000xf32, #tpu.memory_space<vmem>> -> memref<1000xf32, #tpu.memory_space<vmem>>
        %parallel_loop3A_173 = tpu.vector_load_idx %parallel_loop3A_172[%parallel_loop3A_76] : memref<1000xf32, #tpu.memory_space<vmem>>[vector<16xi32>], vector<16xf32>,
        %parallel_loop3A_174 = arith.constant 16 : i32
        %parallel_loop3A_175 = arith.muli %parallel_loop3A_69, %parallel_loop3A_174 : i32
        %parallel_loop3A_176 = arith.constant 7 : i32
        %parallel_loop3A_177 = arith.index_cast %and3A_44 : i32 to index
        %parallel_loop3A_178 = arith.index_cast %parallel_loop3A_176 : i32 to index
        %parallel_loop3A_179 = arith.index_cast %parallel_loop3A_175 : i32 to index
        %parallel_loop3A_180 = tpu.vector_load %arg7[%parallel_loop3A_177, %parallel_loop3A_178, %parallel_loop3A_179] {strides = array<i32>} : memref<2x64x256xf32, #tpu.memory_space<vmem>>, vector<16xf32>,
        tpu.vector_store %arg7[%parallel_loop3A_177, %parallel_loop3A_178, %parallel_loop3A_179], %parallel_loop3A_100 {strides = array<i32>} : memref<2x64x256xf32, #tpu.memory_space<vmem>>, vector<16xf32>,
        %parallel_loop3A_181 = arith.constant 16000 : i32
        %parallel_loop3A_182 = tpu.memref_slice %arg5[%parallel_loop3A_181] : memref<64000xf32, #tpu.memory_space<vmem>> -> memref<1000xf32, #tpu.memory_space<vmem>>
        %parallel_loop3A_183 = tpu.vector_load_idx %parallel_loop3A_182[%parallel_loop3A_76] : memref<1000xf32, #tpu.memory_space<vmem>>[vector<16xi32>], vector<16xf32>,
        %parallel_loop3A_184 = arith.constant 16 : i32
        %parallel_loop3A_185 = arith.muli %parallel_loop3A_69, %parallel_loop3A_184 : i32
        %parallel_loop3A_186 = arith.constant 8 : i32
        %parallel_loop3A_187 = arith.index_cast %and3A_44 : i32 to index
        %parallel_loop3A_188 = arith.index_cast %parallel_loop3A_186 : i32 to index
        %parallel_loop3A_189 = arith.index_cast %parallel_loop3A_185 : i32 to index
        %parallel_loop3A_190 = tpu.vector_load %arg7[%parallel_loop3A_187, %parallel_loop3A_188, %parallel_loop3A_189] {strides = array<i32>} : memref<2x64x256xf32, #tpu.memory_space<vmem>>, vector<16xf32>,
        tpu.vector_store %arg7[%parallel_loop3A_187, %parallel_loop3A_188, %parallel_loop3A_189], %parallel_loop3A_103 {strides = array<i32>} : memref<2x64x256xf32, #tpu.memory_space<vmem>>, vector<16xf32>,
        %parallel_loop3A_191 = arith.constant 17000 : i32
        %parallel_loop3A_192 = tpu.memref_slice %arg5[%parallel_loop3A_191] : memref<64000xf32, #tpu.memory_space<vmem>> -> memref<1000xf32, #tpu.memory_space<vmem>>
        %parallel_loop3A_193 = tpu.vector_load_idx %parallel_loop3A_192[%parallel_loop3A_76] : memref<1000xf32, #tpu.memory_space<vmem>>[vector<16xi32>], vector<16xf32>,
        %parallel_loop3A_194 = arith.constant 16 : i32
        %parallel_loop3A_195 = arith.muli %parallel_loop3A_69, %parallel_loop3A_194 : i32
        %parallel_loop3A_196 = arith.constant 9 : i32
        %parallel_loop3A_197 = arith.index_cast %and3A_44 : i32 to index
        %parallel_loop3A_198 = arith.index_cast %parallel_loop3A_196 : i32 to index
        %parallel_loop3A_199 = arith.index_cast %parallel_loop3A_195 : i32 to index
        %parallel_loop3A_200 = tpu.vector_load %arg7[%parallel_loop3A_197, %parallel_loop3A_198, %parallel_loop3A_199] {strides = array<i32>} : memref<2x64x256xf32, #tpu.memory_space<vmem>>, vector<16xf32>,
        tpu.vector_store %arg7[%parallel_loop3A_197, %parallel_loop3A_198, %parallel_loop3A_199], %parallel_loop3A_113 {strides = array<i32>} : memref<2x64x256xf32, #tpu.memory_space<vmem>>, vector<16xf32>,
        %parallel_loop3A_201 = arith.constant 18000 : i32
        %parallel_loop3A_202 = tpu.memref_slice %arg5[%parallel_loop3A_201] : memref<64000xf32, #tpu.memory_space<vmem>> -> memref<1000xf32, #tpu.memory_space<vmem>>
        %parallel_loop3A_203 = tpu.vector_load_idx %parallel_loop3A_202[%parallel_loop3A_76] : memref<1000xf32, #tpu.memory_space<vmem>>[vector<16xi32>], vector<16xf32>,
        %parallel_loop3A_204 = arith.constant 16 : i32
        %parallel_loop3A_205 = arith.muli %parallel_loop3A_69, %parallel_loop3A_204 : i32
        %parallel_loop3A_206 = arith.constant 10 : i32
        %parallel_loop3A_207 = arith.index_cast %and3A_44 : i32 to index
        %parallel_loop3A_208 = arith.index_cast %parallel_loop3A_206 : i32 to index
        %parallel_loop3A_209 = arith.index_cast %parallel_loop3A_205 : i32 to index
        %parallel_loop3A_210 = tpu.vector_load %arg7[%parallel_loop3A_207, %parallel_loop3A_208, %parallel_loop3A_209] {strides = array<i32>} : memref<2x64x256xf32, #tpu.memory_space<vmem>>, vector<16xf32>,
        tpu.vector_store %arg7[%parallel_loop3A_207, %parallel_loop3A_208, %parallel_loop3A_209], %parallel_loop3A_123 {strides = array<i32>} : memref<2x64x256xf32, #tpu.memory_space<vmem>>, vector<16xf32>,
        %parallel_loop3A_211 = arith.constant 19000 : i32
        %parallel_loop3A_212 = tpu.memref_slice %arg5[%parallel_loop3A_211] : memref<64000xf32, #tpu.memory_space<vmem>> -> memref<1000xf32, #tpu.memory_space<vmem>>
        %parallel_loop3A_213 = tpu.vector_load_idx %parallel_loop3A_212[%parallel_loop3A_76] : memref<1000xf32, #tpu.memory_space<vmem>>[vector<16xi32>], vector<16xf32>,
        %parallel_loop3A_214 = arith.constant 16 : i32
        %parallel_loop3A_215 = arith.muli %parallel_loop3A_69, %parallel_loop3A_214 : i32
        %parallel_loop3A_216 = arith.constant 11 : i32
        %parallel_loop3A_217 = arith.index_cast %and3A_44 : i32 to index
        %parallel_loop3A_218 = arith.index_cast %parallel_loop3A_216 : i32 to index
        %parallel_loop3A_219 = arith.index_cast %parallel_loop3A_215 : i32 to index
        %parallel_loop3A_220 = tpu.vector_load %arg7[%parallel_loop3A_217, %parallel_loop3A_218, %parallel_loop3A_219] {strides = array<i32>} : memref<2x64x256xf32, #tpu.memory_space<vmem>>, vector<16xf32>,
        tpu.vector_store %arg7[%parallel_loop3A_217, %parallel_loop3A_218, %parallel_loop3A_219], %parallel_loop3A_133 {strides = array<i32>} : memref<2x64x256xf32, #tpu.memory_space<vmem>>, vector<16xf32>,
        %parallel_loop3A_221 = arith.constant 20000 : i32
        %parallel_loop3A_222 = tpu.memref_slice %arg5[%parallel_loop3A_221] : memref<64000xf32, #tpu.memory_space<vmem>> -> memref<1000xf32, #tpu.memory_space<vmem>>
        %parallel_loop3A_223 = tpu.vector_load_idx %parallel_loop3A_222[%parallel_loop3A_76] : memref<1000xf32, #tpu.memory_space<vmem>>[vector<16xi32>], vector<16xf32>,
        %parallel_loop3A_224 = arith.constant 16 : i32
        %parallel_loop3A_225 = arith.muli %parallel_loop3A_69, %parallel_loop3A_224 : i32
        %parallel_loop3A_226 = arith.constant 12 : i32
        %parallel_loop3A_227 = arith.index_cast %and3A_44 : i32 to index
        %parallel_loop3A_228 = arith.index_cast %parallel_loop3A_226 : i32 to index
        %parallel_loop3A_229 = arith.index_cast %parallel_loop3A_225 : i32 to index
        %parallel_loop3A_230 = tpu.vector_load %arg7[%parallel_loop3A_227, %parallel_loop3A_228, %parallel_loop3A_229] {strides = array<i32>} : memref<2x64x256xf32, #tpu.memory_space<vmem>>, vector<16xf32>,
        tpu.vector_store %arg7[%parallel_loop3A_227, %parallel_loop3A_228, %parallel_loop3A_229], %parallel_loop3A_143 {strides = array<i32>} : memref<2x64x256xf32, #tpu.memory_space<vmem>>, vector<16xf32>,
        %parallel_loop3A_231 = arith.constant 21000 : i32
        %parallel_loop3A_232 = tpu.memref_slice %arg5[%parallel_loop3A_231] : memref<64000xf32, #tpu.memory_space<vmem>> -> memref<1000xf32, #tpu.memory_space<vmem>>
        %parallel_loop3A_233 = tpu.vector_load_idx %parallel_loop3A_232[%parallel_loop3A_76] : memref<1000xf32, #tpu.memory_space<vmem>>[vector<16xi32>], vector<16xf32>,
        %parallel_loop3A_234 = arith.constant 16 : i32
        %parallel_loop3A_235 = arith.muli %parallel_loop3A_69, %parallel_loop3A_234 : i32
        %parallel_loop3A_236 = arith.constant 13 : i32
        %parallel_loop3A_237 = arith.index_cast %and3A_44 : i32 to index
        %parallel_loop3A_238 = arith.index_cast %parallel_loop3A_236 : i32 to index
        %parallel_loop3A_239 = arith.index_cast %parallel_loop3A_235 : i32 to index
        %parallel_loop3A_240 = tpu.vector_load %arg7[%parallel_loop3A_237, %parallel_loop3A_238, %parallel_loop3A_239] {strides = array<i32>} : memref<2x64x256xf32, #tpu.memory_space<vmem>>, vector<16xf32>,
        tpu.vector_store %arg7[%parallel_loop3A_237, %parallel_loop3A_238, %parallel_loop3A_239], %parallel_loop3A_153 {strides = array<i32>} : memref<2x64x256xf32, #tpu.memory_space<vmem>>, vector<16xf32>,
        %parallel_loop3A_241 = arith.constant 22000 : i32
        %parallel_loop3A_242 = tpu.memref_slice %arg5[%parallel_loop3A_241] : memref<64000xf32, #tpu.memory_space<vmem>> -> memref<1000xf32, #tpu.memory_space<vmem>>
        %parallel_loop3A_243 = tpu.vector_load_idx %parallel_loop3A_242[%parallel_loop3A_76] : memref<1000xf32, #tpu.memory_space<vmem>>[vector<16xi32>], vector<16xf32>,
        %parallel_loop3A_244 = arith.constant 16 : i32
        %parallel_loop3A_245 = arith.muli %parallel_loop3A_69, %parallel_loop3A_244 : i32
        %parallel_loop3A_246 = arith.constant 14 : i32
        %parallel_loop3A_247 = arith.index_cast %and3A_44 : i32 to index
        %parallel_loop3A_248 = arith.index_cast %parallel_loop3A_246 : i32 to index
        %parallel_loop3A_249 = arith.index_cast %parallel_loop3A_245 : i32 to index
        %parallel_loop3A_250 = tpu.vector_load %arg7[%parallel_loop3A_247, %parallel_loop3A_248, %parallel_loop3A_249] {strides = array<i32>} : memref<2x64x256xf32, #tpu.memory_space<vmem>>, vector<16xf32>,
        tpu.vector_store %arg7[%parallel_loop3A_247, %parallel_loop3A_248, %parallel_loop3A_249], %parallel_loop3A_163 {strides = array<i32>} : memref<2x64x256xf32, #tpu.memory_space<vmem>>, vector<16xf32>,
        %parallel_loop3A_251 = arith.constant 23000 : i32
        %parallel_loop3A_252 = tpu.memref_slice %arg5[%parallel_loop3A_251] : memref<64000xf32, #tpu.memory_space<vmem>> -> memref<1000xf32, #tpu.memory_space<vmem>>
        %parallel_loop3A_253 = tpu.vector_load_idx %parallel_loop3A_252[%parallel_loop3A_76] : memref<1000xf32, #tpu.memory_space<vmem>>[vector<16xi32>], vector<16xf32>,
        %parallel_loop3A_254 = arith.constant 16 : i32
        %parallel_loop3A_255 = arith.muli %parallel_loop3A_69, %parallel_loop3A_254 : i32
        %parallel_loop3A_256 = arith.constant 15 : i32
        %parallel_loop3A_257 = arith.index_cast %and3A_44 : i32 to index
        %parallel_loop3A_258 = arith.index_cast %parallel_loop3A_256 : i32 to index
        %parallel_loop3A_259 = arith.index_cast %parallel_loop3A_255 : i32 to index
        %parallel_loop3A_260 = tpu.vector_load %arg7[%parallel_loop3A_257, %parallel_loop3A_258, %parallel_loop3A_259] {strides = array<i32>} : memref<2x64x256xf32, #tpu.memory_space<vmem>>, vector<16xf32>,
        tpu.vector_store %arg7[%parallel_loop3A_257, %parallel_loop3A_258, %parallel_loop3A_259], %parallel_loop3A_173 {strides = array<i32>} : memref<2x64x256xf32, #tpu.memory_space<vmem>>, vector<16xf32>,
        %parallel_loop3A_261 = arith.constant 24000 : i32
        %parallel_loop3A_262 = tpu.memref_slice %arg5[%parallel_loop3A_261] : memref<64000xf32, #tpu.memory_space<vmem>> -> memref<1000xf32, #tpu.memory_space<vmem>>
        %parallel_loop3A_263 = tpu.vector_load_idx %parallel_loop3A_262[%parallel_loop3A_76] : memref<1000xf32, #tpu.memory_space<vmem>>[vector<16xi32>], vector<16xf32>,
        %parallel_loop3A_264 = arith.constant 16 : i32
        %parallel_loop3A_265 = arith.muli %parallel_loop3A_69, %parallel_loop3A_264 : i32
        %parallel_loop3A_266 = arith.constant 16 : i32
        %parallel_loop3A_267 = arith.index_cast %and3A_44 : i32 to index
        %parallel_loop3A_268 = arith.index_cast %parallel_loop3A_266 : i32 to index
        %parallel_loop3A_269 = arith.index_cast %parallel_loop3A_265 : i32 to index
        %parallel_loop3A_270 = tpu.vector_load %arg7[%parallel_loop3A_267, %parallel_loop3A_268, %parallel_loop3A_269] {strides = array<i32>} : memref<2x64x256xf32, #tpu.memory_space<vmem>>, vector<16xf32>,
        tpu.vector_store %arg7[%parallel_loop3A_267, %parallel_loop3A_268, %parallel_loop3A_269], %parallel_loop3A_183 {strides = array<i32>} : memref<2x64x256xf32, #tpu.memory_space<vmem>>, vector<16xf32>,
        %parallel_loop3A_271 = arith.constant 25000 : i32
        %parallel_loop3A_272 = tpu.memref_slice %arg5[%parallel_loop3A_271] : memref<64000xf32, #tpu.memory_space<vmem>> -> memref<1000xf32, #tpu.memory_space<vmem>>
        %parallel_loop3A_273 = tpu.vector_load_idx %parallel_loop3A_272[%parallel_loop3A_76] : memref<1000xf32, #tpu.memory_space<vmem>>[vector<16xi32>], vector<16xf32>,
        %parallel_loop3A_274 = arith.constant 16 : i32
        %parallel_loop3A_275 = arith.muli %parallel_loop3A_69, %parallel_loop3A_274 : i32
        %parallel_loop3A_276 = arith.constant 17 : i32
        %parallel_loop3A_277 = arith.index_cast %and3A_44 : i32 to index
        %parallel_loop3A_278 = arith.index_cast %parallel_loop3A_276 : i32 to index
        %parallel_loop3A_279 = arith.index_cast %parallel_loop3A_275 : i32 to index
        %parallel_loop3A_280 = tpu.vector_load %arg7[%parallel_loop3A_277, %parallel_loop3A_278, %parallel_loop3A_279] {strides = array<i32>} : memref<2x64x256xf32, #tpu.memory_space<vmem>>, vector<16xf32>,
        tpu.vector_store %arg7[%parallel_loop3A_277, %parallel_loop3A_278, %parallel_loop3A_279], %parallel_loop3A_193 {strides = array<i32>} : memref<2x64x256xf32, #tpu.memory_space<vmem>>, vector<16xf32>,
        %parallel_loop3A_281 = arith.constant 26000 : i32
        %parallel_loop3A_282 = tpu.memref_slice %arg5[%parallel_loop3A_281] : memref<64000xf32, #tpu.memory_space<vmem>> -> memref<1000xf32, #tpu.memory_space<vmem>>
        %parallel_loop3A_283 = tpu.vector_load_idx %parallel_loop3A_282[%parallel_loop3A_76] : memref<1000xf32, #tpu.memory_space<vmem>>[vector<16xi32>], vector<16xf32>,
        %parallel_loop3A_284 = arith.constant 16 : i32
        %parallel_loop3A_285 = arith.muli %parallel_loop3A_69, %parallel_loop3A_284 : i32
        %parallel_loop3A_286 = arith.constant 18 : i32
        %parallel_loop3A_287 = arith.index_cast %and3A_44 : i32 to index
        %parallel_loop3A_288 = arith.index_cast %parallel_loop3A_286 : i32 to index
        %parallel_loop3A_289 = arith.index_cast %parallel_loop3A_285 : i32 to index
        %parallel_loop3A_290 = tpu.vector_load %arg7[%parallel_loop3A_287, %parallel_loop3A_288, %parallel_loop3A_289] {strides = array<i32>} : memref<2x64x256xf32, #tpu.memory_space<vmem>>, vector<16xf32>,
        tpu.vector_store %arg7[%parallel_loop3A_287, %parallel_loop3A_288, %parallel_loop3A_289], %parallel_loop3A_203 {strides = array<i32>} : memref<2x64x256xf32, #tpu.memory_space<vmem>>, vector<16xf32>,
        %parallel_loop3A_291 = arith.constant 27000 : i32
        %parallel_loop3A_292 = tpu.memref_slice %arg5[%parallel_loop3A_291] : memref<64000xf32, #tpu.memory_space<vmem>> -> memref<1000xf32, #tpu.memory_space<vmem>>
        %parallel_loop3A_293 = tpu.vector_load_idx %parallel_loop3A_292[%parallel_loop3A_76] : memref<1000xf32, #tpu.memory_space<vmem>>[vector<16xi32>], vector<16xf32>,
        %parallel_loop3A_294 = arith.constant 16 : i32
        %parallel_loop3A_295 = arith.muli %parallel_loop3A_69, %parallel_loop3A_294 : i32
        %parallel_loop3A_296 = arith.constant 19 : i32
        %parallel_loop3A_297 = arith.index_cast %and3A_44 : i32 to index
        %parallel_loop3A_298 = arith.index_cast %parallel_loop3A_296 : i32 to index
        %parallel_loop3A_299 = arith.index_cast %parallel_loop3A_295 : i32 to index
        %parallel_loop3A_300 = tpu.vector_load %arg7[%parallel_loop3A_297, %parallel_loop3A_298, %parallel_loop3A_299] {strides = array<i32>} : memref<2x64x256xf32, #tpu.memory_space<vmem>>, vector<16xf32>,
        tpu.vector_store %arg7[%parallel_loop3A_297, %parallel_loop3A_298, %parallel_loop3A_299], %parallel_loop3A_213 {strides = array<i32>} : memref<2x64x256xf32, #tpu.memory_space<vmem>>, vector<16xf32>,
        %parallel_loop3A_301 = arith.constant 28000 : i32
        %parallel_loop3A_302 = tpu.memref_slice %arg5[%parallel_loop3A_301] : memref<64000xf32, #tpu.memory_space<vmem>> -> memref<1000xf32, #tpu.memory_space<vmem>>
        %parallel_loop3A_303 = tpu.vector_load_idx %parallel_loop3A_302[%parallel_loop3A_76] : memref<1000xf32, #tpu.memory_space<vmem>>[vector<16xi32>], vector<16xf32>,
        %parallel_loop3A_304 = arith.constant 16 : i32
        %parallel_loop3A_305 = arith.muli %parallel_loop3A_69, %parallel_loop3A_304 : i32
        %parallel_loop3A_306 = arith.constant 20 : i32
        %parallel_loop3A_307 = arith.index_cast %and3A_44 : i32 to index
        %parallel_loop3A_308 = arith.index_cast %parallel_loop3A_306 : i32 to index
        %parallel_loop3A_309 = arith.index_cast %parallel_loop3A_305 : i32 to index
        %parallel_loop3A_310 = tpu.vector_load %arg7[%parallel_loop3A_307, %parallel_loop3A_308, %parallel_loop3A_309] {strides = array<i32>} : memref<2x64x256xf32, #tpu.memory_space<vmem>>, vector<16xf32>,
        tpu.vector_store %arg7[%parallel_loop3A_307, %parallel_loop3A_308, %parallel_loop3A_309], %parallel_loop3A_223 {strides = array<i32>} : memref<2x64x256xf32, #tpu.memory_space<vmem>>, vector<16xf32>,
        %parallel_loop3A_311 = arith.constant 29000 : i32
        %parallel_loop3A_312 = tpu.memref_slice %arg5[%parallel_loop3A_311] : memref<64000xf32, #tpu.memory_space<vmem>> -> memref<1000xf32, #tpu.memory_space<vmem>>
        %parallel_loop3A_313 = tpu.vector_load_idx %parallel_loop3A_312[%parallel_loop3A_76] : memref<1000xf32, #tpu.memory_space<vmem>>[vector<16xi32>], vector<16xf32>,
        %parallel_loop3A_314 = arith.constant 16 : i32
        %parallel_loop3A_315 = arith.muli %parallel_loop3A_69, %parallel_loop3A_314 : i32
        %parallel_loop3A_316 = arith.constant 21 : i32
        %parallel_loop3A_317 = arith.index_cast %and3A_44 : i32 to index
        %parallel_loop3A_318 = arith.index_cast %parallel_loop3A_316 : i32 to index
        %parallel_loop3A_319 = arith.index_cast %parallel_loop3A_315 : i32 to index
        %parallel_loop3A_320 = tpu.vector_load %arg7[%parallel_loop3A_317, %parallel_loop3A_318, %parallel_loop3A_319] {strides = array<i32>} : memref<2x64x256xf32, #tpu.memory_space<vmem>>, vector<16xf32>,
        tpu.vector_store %arg7[%parallel_loop3A_317, %parallel_loop3A_318, %parallel_loop3A_319], %parallel_loop3A_233 {strides = array<i32>} : memref<2x64x256xf32, #tpu.memory_space<vmem>>, vector<16xf32>,
        %parallel_loop3A_321 = arith.constant 30000 : i32
        %parallel_loop3A_322 = tpu.memref_slice %arg5[%parallel_loop3A_321] : memref<64000xf32, #tpu.memory_space<vmem>> -> memref<1000xf32, #tpu.memory_space<vmem>>
        %parallel_loop3A_323 = tpu.vector_load_idx %parallel_loop3A_322[%parallel_loop3A_76] : memref<1000xf32, #tpu.memory_space<vmem>>[vector<16xi32>], vector<16xf32>,
        %parallel_loop3A_324 = arith.constant 16 : i32
        %parallel_loop3A_325 = arith.muli %parallel_loop3A_69, %parallel_loop3A_324 : i32
        %parallel_loop3A_326 = arith.constant 22 : i32
        %parallel_loop3A_327 = arith.index_cast %and3A_44 : i32 to index
        %parallel_loop3A_328 = arith.index_cast %parallel_loop3A_326 : i32 to index
        %parallel_loop3A_329 = arith.index_cast %parallel_loop3A_325 : i32 to index
        %parallel_loop3A_330 = tpu.vector_load %arg7[%parallel_loop3A_327, %parallel_loop3A_328, %parallel_loop3A_329] {strides = array<i32>} : memref<2x64x256xf32, #tpu.memory_space<vmem>>, vector<16xf32>,
        tpu.vector_store %arg7[%parallel_loop3A_327, %parallel_loop3A_328, %parallel_loop3A_329], %parallel_loop3A_243 {strides = array<i32>} : memref<2x64x256xf32, #tpu.memory_space<vmem>>, vector<16xf32>,
        %parallel_loop3A_331 = arith.constant 31000 : i32
        %parallel_loop3A_332 = tpu.memref_slice %arg5[%parallel_loop3A_331] : memref<64000xf32, #tpu.memory_space<vmem>> -> memref<1000xf32, #tpu.memory_space<vmem>>
        %parallel_loop3A_333 = tpu.vector_load_idx %parallel_loop3A_332[%parallel_loop3A_76] : memref<1000xf32, #tpu.memory_space<vmem>>[vector<16xi32>], vector<16xf32>,
        %parallel_loop3A_334 = arith.constant 16 : i32
        %parallel_loop3A_335 = arith.muli %parallel_loop3A_69, %parallel_loop3A_334 : i32
        %parallel_loop3A_336 = arith.constant 23 : i32
        %parallel_loop3A_337 = arith.index_cast %and3A_44 : i32 to index
        %parallel_loop3A_338 = arith.index_cast %parallel_loop3A_336 : i32 to index
        %parallel_loop3A_339 = arith.index_cast %parallel_loop3A_335 : i32 to index
        %parallel_loop3A_340 = tpu.vector_load %arg7[%parallel_loop3A_337, %parallel_loop3A_338, %parallel_loop3A_339] {strides = array<i32>} : memref<2x64x256xf32, #tpu.memory_space<vmem>>, vector<16xf32>,
        tpu.vector_store %arg7[%parallel_loop3A_337, %parallel_loop3A_338, %parallel_loop3A_339], %parallel_loop3A_253 {strides = array<i32>} : memref<2x64x256xf32, #tpu.memory_space<vmem>>, vector<16xf32>,
        %parallel_loop3A_341 = arith.constant 32000 : i32
        %parallel_loop3A_342 = tpu.memref_slice %arg5[%parallel_loop3A_341] : memref<64000xf32, #tpu.memory_space<vmem>> -> memref<1000xf32, #tpu.memory_space<vmem>>
        %parallel_loop3A_343 = tpu.vector_load_idx %parallel_loop3A_342[%parallel_loop3A_76] : memref<1000xf32, #tpu.memory_space<vmem>>[vector<16xi32>], vector<16xf32>,
        %parallel_loop3A_344 = arith.constant 16 : i32
        %parallel_loop3A_345 = arith.muli %parallel_loop3A_69, %parallel_loop3A_344 : i32
        %parallel_loop3A_346 = arith.constant 24 : i32
        %parallel_loop3A_347 = arith.index_cast %and3A_44 : i32 to index
        %parallel_loop3A_348 = arith.index_cast %parallel_loop3A_346 : i32 to index
        %parallel_loop3A_349 = arith.index_cast %parallel_loop3A_345 : i32 to index
        %parallel_loop3A_350 = tpu.vector_load %arg7[%parallel_loop3A_347, %parallel_loop3A_348, %parallel_loop3A_349] {strides = array<i32>} : memref<2x64x256xf32, #tpu.memory_space<vmem>>, vector<16xf32>,
        tpu.vector_store %arg7[%parallel_loop3A_347, %parallel_loop3A_348, %parallel_loop3A_349], %parallel_loop3A_263 {strides = array<i32>} : memref<2x64x256xf32, #tpu.memory_space<vmem>>, vector<16xf32>,
        %parallel_loop3A_351 = arith.constant 33000 : i32
        %parallel_loop3A_352 = tpu.memref_slice %arg5[%parallel_loop3A_351] : memref<64000xf32, #tpu.memory_space<vmem>> -> memref<1000xf32, #tpu.memory_space<vmem>>
        %parallel_loop3A_353 = tpu.vector_load_idx %parallel_loop3A_352[%parallel_loop3A_76] : memref<1000xf32, #tpu.memory_space<vmem>>[vector<16xi32>], vector<16xf32>,
        %parallel_loop3A_354 = arith.constant 16 : i32
        %parallel_loop3A_355 = arith.muli %parallel_loop3A_69, %parallel_loop3A_354 : i32
        %parallel_loop3A_356 = arith.constant 25 : i32
        %parallel_loop3A_357 = arith.index_cast %and3A_44 : i32 to index
        %parallel_loop3A_358 = arith.index_cast %parallel_loop3A_356 : i32 to index
        %parallel_loop3A_359 = arith.index_cast %parallel_loop3A_355 : i32 to index
        %parallel_loop3A_360 = tpu.vector_load %arg7[%parallel_loop3A_357, %parallel_loop3A_358, %parallel_loop3A_359] {strides = array<i32>} : memref<2x64x256xf32, #tpu.memory_space<vmem>>, vector<16xf32>,
        tpu.vector_store %arg7[%parallel_loop3A_357, %parallel_loop3A_358, %parallel_loop3A_359], %parallel_loop3A_273 {strides = array<i32>} : memref<2x64x256xf32, #tpu.memory_space<vmem>>, vector<16xf32>,
        %parallel_loop3A_361 = arith.constant 34000 : i32
        %parallel_loop3A_362 = tpu.memref_slice %arg5[%parallel_loop3A_361] : memref<64000xf32, #tpu.memory_space<vmem>> -> memref<1000xf32, #tpu.memory_space<vmem>>
        %parallel_loop3A_363 = tpu.vector_load_idx %parallel_loop3A_362[%parallel_loop3A_76] : memref<1000xf32, #tpu.memory_space<vmem>>[vector<16xi32>], vector<16xf32>,
        %parallel_loop3A_364 = arith.constant 16 : i32
        %parallel_loop3A_365 = arith.muli %parallel_loop3A_69, %parallel_loop3A_364 : i32
        %parallel_loop3A_366 = arith.constant 26 : i32
        %parallel_loop3A_367 = arith.index_cast %and3A_44 : i32 to index
        %parallel_loop3A_368 = arith.index_cast %parallel_loop3A_366 : i32 to index
        %parallel_loop3A_369 = arith.index_cast %parallel_loop3A_365 : i32 to index
        %parallel_loop3A_370 = tpu.vector_load %arg7[%parallel_loop3A_367, %parallel_loop3A_368, %parallel_loop3A_369] {strides = array<i32>} : memref<2x64x256xf32, #tpu.memory_space<vmem>>, vector<16xf32>,
        tpu.vector_store %arg7[%parallel_loop3A_367, %parallel_loop3A_368, %parallel_loop3A_369], %parallel_loop3A_283 {strides = array<i32>} : memref<2x64x256xf32, #tpu.memory_space<vmem>>, vector<16xf32>,
        %parallel_loop3A_371 = arith.constant 35000 : i32
        %parallel_loop3A_372 = tpu.memref_slice %arg5[%parallel_loop3A_371] : memref<64000xf32, #tpu.memory_space<vmem>> -> memref<1000xf32, #tpu.memory_space<vmem>>
        %parallel_loop3A_373 = tpu.vector_load_idx %parallel_loop3A_372[%parallel_loop3A_76] : memref<1000xf32, #tpu.memory_space<vmem>>[vector<16xi32>], vector<16xf32>,
        %parallel_loop3A_374 = arith.constant 16 : i32
        %parallel_loop3A_375 = arith.muli %parallel_loop3A_69, %parallel_loop3A_374 : i32
        %parallel_loop3A_376 = arith.constant 27 : i32
        %parallel_loop3A_377 = arith.index_cast %and3A_44 : i32 to index
        %parallel_loop3A_378 = arith.index_cast %parallel_loop3A_376 : i32 to index
        %parallel_loop3A_379 = arith.index_cast %parallel_loop3A_375 : i32 to index
        %parallel_loop3A_380 = tpu.vector_load %arg7[%parallel_loop3A_377, %parallel_loop3A_378, %parallel_loop3A_379] {strides = array<i32>} : memref<2x64x256xf32, #tpu.memory_space<vmem>>, vector<16xf32>,
        tpu.vector_store %arg7[%parallel_loop3A_377, %parallel_loop3A_378, %parallel_loop3A_379], %parallel_loop3A_293 {strides = array<i32>} : memref<2x64x256xf32, #tpu.memory_space<vmem>>, vector<16xf32>,
        %parallel_loop3A_381 = arith.constant 36000 : i32
        %parallel_loop3A_382 = tpu.memref_slice %arg5[%parallel_loop3A_381] : memref<64000xf32, #tpu.memory_space<vmem>> -> memref<1000xf32, #tpu.memory_space<vmem>>
        %parallel_loop3A_383 = tpu.vector_load_idx %parallel_loop3A_382[%parallel_loop3A_76] : memref<1000xf32, #tpu.memory_space<vmem>>[vector<16xi32>], vector<16xf32>,
        %parallel_loop3A_384 = arith.constant 16 : i32
        %parallel_loop3A_385 = arith.muli %parallel_loop3A_69, %parallel_loop3A_384 : i32
        %parallel_loop3A_386 = arith.constant 28 : i32
        %parallel_loop3A_387 = arith.index_cast %and3A_44 : i32 to index
        %parallel_loop3A_388 = arith.index_cast %parallel_loop3A_386 : i32 to index
        %parallel_loop3A_389 = arith.index_cast %parallel_loop3A_385 : i32 to index
        %parallel_loop3A_390 = tpu.vector_load %arg7[%parallel_loop3A_387, %parallel_loop3A_388, %parallel_loop3A_389] {strides = array<i32>} : memref<2x64x256xf32, #tpu.memory_space<vmem>>, vector<16xf32>,
        tpu.vector_store %arg7[%parallel_loop3A_387, %parallel_loop3A_388, %parallel_loop3A_389], %parallel_loop3A_303 {strides = array<i32>} : memref<2x64x256xf32, #tpu.memory_space<vmem>>, vector<16xf32>,
        %parallel_loop3A_391 = arith.constant 37000 : i32
        %parallel_loop3A_392 = tpu.memref_slice %arg5[%parallel_loop3A_391] : memref<64000xf32, #tpu.memory_space<vmem>> -> memref<1000xf32, #tpu.memory_space<vmem>>
        %parallel_loop3A_393 = tpu.vector_load_idx %parallel_loop3A_392[%parallel_loop3A_76] : memref<1000xf32, #tpu.memory_space<vmem>>[vector<16xi32>], vector<16xf32>,
        %parallel_loop3A_394 = arith.constant 16 : i32
        %parallel_loop3A_395 = arith.muli %parallel_loop3A_69, %parallel_loop3A_394 : i32
        %parallel_loop3A_396 = arith.constant 29 : i32
        %parallel_loop3A_397 = arith.index_cast %and3A_44 : i32 to index
        %parallel_loop3A_398 = arith.index_cast %parallel_loop3A_396 : i32 to index
        %parallel_loop3A_399 = arith.index_cast %parallel_loop3A_395 : i32 to index
        %parallel_loop3A_400 = tpu.vector_load %arg7[%parallel_loop3A_397, %parallel_loop3A_398, %parallel_loop3A_399] {strides = array<i32>} : memref<2x64x256xf32, #tpu.memory_space<vmem>>, vector<16xf32>,
        tpu.vector_store %arg7[%parallel_loop3A_397, %parallel_loop3A_398, %parallel_loop3A_399], %parallel_loop3A_313 {strides = array<i32>} : memref<2x64x256xf32, #tpu.memory_space<vmem>>, vector<16xf32>,
        %parallel_loop3A_401 = arith.constant 38000 : i32
        %parallel_loop3A_402 = tpu.memref_slice %arg5[%parallel_loop3A_401] : memref<64000xf32, #tpu.memory_space<vmem>> -> memref<1000xf32, #tpu.memory_space<vmem>>
        %parallel_loop3A_403 = tpu.vector_load_idx %parallel_loop3A_402[%parallel_loop3A_76] : memref<1000xf32, #tpu.memory_space<vmem>>[vector<16xi32>], vector<16xf32>,
        %parallel_loop3A_404 = arith.constant 16 : i32
        %parallel_loop3A_405 = arith.muli %parallel_loop3A_69, %parallel_loop3A_404 : i32
        %parallel_loop3A_406 = arith.constant 30 : i32
        %parallel_loop3A_407 = arith.index_cast %and3A_44 : i32 to index
        %parallel_loop3A_408 = arith.index_cast %parallel_loop3A_406 : i32 to index
        %parallel_loop3A_409 = arith.index_cast %parallel_loop3A_405 : i32 to index
        %parallel_loop3A_410 = tpu.vector_load %arg7[%parallel_loop3A_407, %parallel_loop3A_408, %parallel_loop3A_409] {strides = array<i32>} : memref<2x64x256xf32, #tpu.memory_space<vmem>>, vector<16xf32>,
        tpu.vector_store %arg7[%parallel_loop3A_407, %parallel_loop3A_408, %parallel_loop3A_409], %parallel_loop3A_323 {strides = array<i32>} : memref<2x64x256xf32, #tpu.memory_space<vmem>>, vector<16xf32>,
        %parallel_loop3A_411 = arith.constant 39000 : i32
        %parallel_loop3A_412 = tpu.memref_slice %arg5[%parallel_loop3A_411] : memref<64000xf32, #tpu.memory_space<vmem>> -> memref<1000xf32, #tpu.memory_space<vmem>>
        %parallel_loop3A_413 = tpu.vector_load_idx %parallel_loop3A_412[%parallel_loop3A_76] : memref<1000xf32, #tpu.memory_space<vmem>>[vector<16xi32>], vector<16xf32>,
        %parallel_loop3A_414 = arith.constant 16 : i32
        %parallel_loop3A_415 = arith.muli %parallel_loop3A_69, %parallel_loop3A_414 : i32
        %parallel_loop3A_416 = arith.constant 31 : i32
        %parallel_loop3A_417 = arith.index_cast %and3A_44 : i32 to index
        %parallel_loop3A_418 = arith.index_cast %parallel_loop3A_416 : i32 to index
        %parallel_loop3A_419 = arith.index_cast %parallel_loop3A_415 : i32 to index
        %parallel_loop3A_420 = tpu.vector_load %arg7[%parallel_loop3A_417, %parallel_loop3A_418, %parallel_loop3A_419] {strides = array<i32>} : memref<2x64x256xf32, #tpu.memory_space<vmem>>, vector<16xf32>,
        tpu.vector_store %arg7[%parallel_loop3A_417, %parallel_loop3A_418, %parallel_loop3A_419], %parallel_loop3A_333 {strides = array<i32>} : memref<2x64x256xf32, #tpu.memory_space<vmem>>, vector<16xf32>,
        %parallel_loop3A_421 = arith.constant 40000 : i32
        %parallel_loop3A_422 = tpu.memref_slice %arg5[%parallel_loop3A_421] : memref<64000xf32, #tpu.memory_space<vmem>> -> memref<1000xf32, #tpu.memory_space<vmem>>
        %parallel_loop3A_423 = tpu.vector_load_idx %parallel_loop3A_422[%parallel_loop3A_76] : memref<1000xf32, #tpu.memory_space<vmem>>[vector<16xi32>], vector<16xf32>,
        %parallel_loop3A_424 = arith.constant 16 : i32
        %parallel_loop3A_425 = arith.muli %parallel_loop3A_69, %parallel_loop3A_424 : i32
        %parallel_loop3A_426 = arith.constant 32 : i32
        %parallel_loop3A_427 = arith.index_cast %and3A_44 : i32 to index
        %parallel_loop3A_428 = arith.index_cast %parallel_loop3A_426 : i32 to index
        %parallel_loop3A_429 = arith.index_cast %parallel_loop3A_425 : i32 to index
        %parallel_loop3A_430 = tpu.vector_load %arg7[%parallel_loop3A_427, %parallel_loop3A_428, %parallel_loop3A_429] {strides = array<i32>} : memref<2x64x256xf32, #tpu.memory_space<vmem>>, vector<16xf32>,
        tpu.vector_store %arg7[%parallel_loop3A_427, %parallel_loop3A_428, %parallel_loop3A_429], %parallel_loop3A_343 {strides = array<i32>} : memref<2x64x256xf32, #tpu.memory_space<vmem>>, vector<16xf32>,
        %parallel_loop3A_431 = arith.constant 41000 : i32
        %parallel_loop3A_432 = tpu.memref_slice %arg5[%parallel_loop3A_431] : memref<64000xf32, #tpu.memory_space<vmem>> -> memref<1000xf32, #tpu.memory_space<vmem>>
        %parallel_loop3A_433 = tpu.vector_load_idx %parallel_loop3A_432[%parallel_loop3A_76] : memref<1000xf32, #tpu.memory_space<vmem>>[vector<16xi32>], vector<16xf32>,
        %parallel_loop3A_434 = arith.constant 16 : i32
        %parallel_loop3A_435 = arith.muli %parallel_loop3A_69, %parallel_loop3A_434 : i32
        %parallel_loop3A_436 = arith.constant 33 : i32
        %parallel_loop3A_437 = arith.index_cast %and3A_44 : i32 to index
        %parallel_loop3A_438 = arith.index_cast %parallel_loop3A_436 : i32 to index
        %parallel_loop3A_439 = arith.index_cast %parallel_loop3A_435 : i32 to index
        %parallel_loop3A_440 = tpu.vector_load %arg7[%parallel_loop3A_437, %parallel_loop3A_438, %parallel_loop3A_439] {strides = array<i32>} : memref<2x64x256xf32, #tpu.memory_space<vmem>>, vector<16xf32>,
        tpu.vector_store %arg7[%parallel_loop3A_437, %parallel_loop3A_438, %parallel_loop3A_439], %parallel_loop3A_353 {strides = array<i32>} : memref<2x64x256xf32, #tpu.memory_space<vmem>>, vector<16xf32>,
        %parallel_loop3A_441 = arith.constant 42000 : i32
        %parallel_loop3A_442 = tpu.memref_slice %arg5[%parallel_loop3A_441] : memref<64000xf32, #tpu.memory_space<vmem>> -> memref<1000xf32, #tpu.memory_space<vmem>>
        %parallel_loop3A_443 = tpu.vector_load_idx %parallel_loop3A_442[%parallel_loop3A_76] : memref<1000xf32, #tpu.memory_space<vmem>>[vector<16xi32>], vector<16xf32>,
        %parallel_loop3A_444 = arith.constant 16 : i32
        %parallel_loop3A_445 = arith.muli %parallel_loop3A_69, %parallel_loop3A_444 : i32
        %parallel_loop3A_446 = arith.constant 34 : i32
        %parallel_loop3A_447 = arith.index_cast %and3A_44 : i32 to index
        %parallel_loop3A_448 = arith.index_cast %parallel_loop3A_446 : i32 to index
        %parallel_loop3A_449 = arith.index_cast %parallel_loop3A_445 : i32 to index
        %parallel_loop3A_450 = tpu.vector_load %arg7[%parallel_loop3A_447, %parallel_loop3A_448, %parallel_loop3A_449] {strides = array<i32>} : memref<2x64x256xf32, #tpu.memory_space<vmem>>, vector<16xf32>,
        tpu.vector_store %arg7[%parallel_loop3A_447, %parallel_loop3A_448, %parallel_loop3A_449], %parallel_loop3A_363 {strides = array<i32>} : memref<2x64x256xf32, #tpu.memory_space<vmem>>, vector<16xf32>,
        %parallel_loop3A_451 = arith.constant 43000 : i32
        %parallel_loop3A_452 = tpu.memref_slice %arg5[%parallel_loop3A_451] : memref<64000xf32, #tpu.memory_space<vmem>> -> memref<1000xf32, #tpu.memory_space<vmem>>
        %parallel_loop3A_453 = tpu.vector_load_idx %parallel_loop3A_452[%parallel_loop3A_76] : memref<1000xf32, #tpu.memory_space<vmem>>[vector<16xi32>], vector<16xf32>,
        %parallel_loop3A_454 = arith.constant 16 : i32
        %parallel_loop3A_455 = arith.muli %parallel_loop3A_69, %parallel_loop3A_454 : i32
        %parallel_loop3A_456 = arith.constant 35 : i32
        %parallel_loop3A_457 = arith.index_cast %and3A_44 : i32 to index
        %parallel_loop3A_458 = arith.index_cast %parallel_loop3A_456 : i32 to index
        %parallel_loop3A_459 = arith.index_cast %parallel_loop3A_455 : i32 to index
        %parallel_loop3A_460 = tpu.vector_load %arg7[%parallel_loop3A_457, %parallel_loop3A_458, %parallel_loop3A_459] {strides = array<i32>} : memref<2x64x256xf32, #tpu.memory_space<vmem>>, vector<16xf32>,
        tpu.vector_store %arg7[%parallel_loop3A_457, %parallel_loop3A_458, %parallel_loop3A_459], %parallel_loop3A_373 {strides = array<i32>} : memref<2x64x256xf32, #tpu.memory_space<vmem>>, vector<16xf32>,
        %parallel_loop3A_461 = arith.constant 44000 : i32
        %parallel_loop3A_462 = tpu.memref_slice %arg5[%parallel_loop3A_461] : memref<64000xf32, #tpu.memory_space<vmem>> -> memref<1000xf32, #tpu.memory_space<vmem>>
        %parallel_loop3A_463 = tpu.vector_load_idx %parallel_loop3A_462[%parallel_loop3A_76] : memref<1000xf32, #tpu.memory_space<vmem>>[vector<16xi32>], vector<16xf32>,
        %parallel_loop3A_464 = arith.constant 16 : i32
        %parallel_loop3A_465 = arith.muli %parallel_loop3A_69, %parallel_loop3A_464 : i32
        %parallel_loop3A_466 = arith.constant 36 : i32
        %parallel_loop3A_467 = arith.index_cast %and3A_44 : i32 to index
        %parallel_loop3A_468 = arith.index_cast %parallel_loop3A_466 : i32 to index
        %parallel_loop3A_469 = arith.index_cast %parallel_loop3A_465 : i32 to index
        %parallel_loop3A_470 = tpu.vector_load %arg7[%parallel_loop3A_467, %parallel_loop3A_468, %parallel_loop3A_469] {strides = array<i32>} : memref<2x64x256xf32, #tpu.memory_space<vmem>>, vector<16xf32>,
        tpu.vector_store %arg7[%parallel_loop3A_467, %parallel_loop3A_468, %parallel_loop3A_469], %parallel_loop3A_383 {strides = array<i32>} : memref<2x64x256xf32, #tpu.memory_space<vmem>>, vector<16xf32>,
        %parallel_loop3A_471 = arith.constant 45000 : i32
        %parallel_loop3A_472 = tpu.memref_slice %arg5[%parallel_loop3A_471] : memref<64000xf32, #tpu.memory_space<vmem>> -> memref<1000xf32, #tpu.memory_space<vmem>>
        %parallel_loop3A_473 = tpu.vector_load_idx %parallel_loop3A_472[%parallel_loop3A_76] : memref<1000xf32, #tpu.memory_space<vmem>>[vector<16xi32>], vector<16xf32>,
        %parallel_loop3A_474 = arith.constant 16 : i32
        %parallel_loop3A_475 = arith.muli %parallel_loop3A_69, %parallel_loop3A_474 : i32
        %parallel_loop3A_476 = arith.constant 37 : i32
        %parallel_loop3A_477 = arith.index_cast %and3A_44 : i32 to index
        %parallel_loop3A_478 = arith.index_cast %parallel_loop3A_476 : i32 to index
        %parallel_loop3A_479 = arith.index_cast %parallel_loop3A_475 : i32 to index
        %parallel_loop3A_480 = tpu.vector_load %arg7[%parallel_loop3A_477, %parallel_loop3A_478, %parallel_loop3A_479] {strides = array<i32>} : memref<2x64x256xf32, #tpu.memory_space<vmem>>, vector<16xf32>,
        tpu.vector_store %arg7[%parallel_loop3A_477, %parallel_loop3A_478, %parallel_loop3A_479], %parallel_loop3A_393 {strides = array<i32>} : memref<2x64x256xf32, #tpu.memory_space<vmem>>, vector<16xf32>,
        %parallel_loop3A_481 = arith.constant 46000 : i32
        %parallel_loop3A_482 = tpu.memref_slice %arg5[%parallel_loop3A_481] : memref<64000xf32, #tpu.memory_space<vmem>> -> memref<1000xf32, #tpu.memory_space<vmem>>
        %parallel_loop3A_483 = tpu.vector_load_idx %parallel_loop3A_482[%parallel_loop3A_76] : memref<1000xf32, #tpu.memory_space<vmem>>[vector<16xi32>], vector<16xf32>,
        %parallel_loop3A_484 = arith.constant 16 : i32
        %parallel_loop3A_485 = arith.muli %parallel_loop3A_69, %parallel_loop3A_484 : i32
        %parallel_loop3A_486 = arith.constant 38 : i32
        %parallel_loop3A_487 = arith.index_cast %and3A_44 : i32 to index
        %parallel_loop3A_488 = arith.index_cast %parallel_loop3A_486 : i32 to index
        %parallel_loop3A_489 = arith.index_cast %parallel_loop3A_485 : i32 to index
        %parallel_loop3A_490 = tpu.vector_load %arg7[%parallel_loop3A_487, %parallel_loop3A_488, %parallel_loop3A_489] {strides = array<i32>} : memref<2x64x256xf32, #tpu.memory_space<vmem>>, vector<16xf32>,
        tpu.vector_store %arg7[%parallel_loop3A_487, %parallel_loop3A_488, %parallel_loop3A_489], %parallel_loop3A_403 {strides = array<i32>} : memref<2x64x256xf32, #tpu.memory_space<vmem>>, vector<16xf32>,
        %parallel_loop3A_491 = arith.constant 47000 : i32
        %parallel_loop3A_492 = tpu.memref_slice %arg5[%parallel_loop3A_491] : memref<64000xf32, #tpu.memory_space<vmem>> -> memref<1000xf32, #tpu.memory_space<vmem>>
        %parallel_loop3A_493 = tpu.vector_load_idx %parallel_loop3A_492[%parallel_loop3A_76] : memref<1000xf32, #tpu.memory_space<vmem>>[vector<16xi32>], vector<16xf32>,
        %parallel_loop3A_494 = arith.constant 16 : i32
        %parallel_loop3A_495 = arith.muli %parallel_loop3A_69, %parallel_loop3A_494 : i32
        %parallel_loop3A_496 = arith.constant 39 : i32
        %parallel_loop3A_497 = arith.index_cast %and3A_44 : i32 to index
        %parallel_loop3A_498 = arith.index_cast %parallel_loop3A_496 : i32 to index
        %parallel_loop3A_499 = arith.index_cast %parallel_loop3A_495 : i32 to index
        %parallel_loop3A_500 = tpu.vector_load %arg7[%parallel_loop3A_497, %parallel_loop3A_498, %parallel_loop3A_499] {strides = array<i32>} : memref<2x64x256xf32, #tpu.memory_space<vmem>>, vector<16xf32>,
        tpu.vector_store %arg7[%parallel_loop3A_497, %parallel_loop3A_498, %parallel_loop3A_499], %parallel_loop3A_413 {strides = array<i32>} : memref<2x64x256xf32, #tpu.memory_space<vmem>>, vector<16xf32>,
        %parallel_loop3A_501 = arith.constant 48000 : i32
        %parallel_loop3A_502 = tpu.memref_slice %arg5[%parallel_loop3A_501] : memref<64000xf32, #tpu.memory_space<vmem>> -> memref<1000xf32, #tpu.memory_space<vmem>>
        %parallel_loop3A_503 = tpu.vector_load_idx %parallel_loop3A_502[%parallel_loop3A_76] : memref<1000xf32, #tpu.memory_space<vmem>>[vector<16xi32>], vector<16xf32>,
        %parallel_loop3A_504 = arith.constant 16 : i32
        %parallel_loop3A_505 = arith.muli %parallel_loop3A_69, %parallel_loop3A_504 : i32
        %parallel_loop3A_506 = arith.constant 40 : i32
        %parallel_loop3A_507 = arith.index_cast %and3A_44 : i32 to index
        %parallel_loop3A_508 = arith.index_cast %parallel_loop3A_506 : i32 to index
        %parallel_loop3A_509 = arith.index_cast %parallel_loop3A_505 : i32 to index
        %parallel_loop3A_510 = tpu.vector_load %arg7[%parallel_loop3A_507, %parallel_loop3A_508, %parallel_loop3A_509] {strides = array<i32>} : memref<2x64x256xf32, #tpu.memory_space<vmem>>, vector<16xf32>,
        tpu.vector_store %arg7[%parallel_loop3A_507, %parallel_loop3A_508, %parallel_loop3A_509], %parallel_loop3A_423 {strides = array<i32>} : memref<2x64x256xf32, #tpu.memory_space<vmem>>, vector<16xf32>,
        %parallel_loop3A_511 = arith.constant 49000 : i32
        %parallel_loop3A_512 = tpu.memref_slice %arg5[%parallel_loop3A_511] : memref<64000xf32, #tpu.memory_space<vmem>> -> memref<1000xf32, #tpu.memory_space<vmem>>
        %parallel_loop3A_513 = tpu.vector_load_idx %parallel_loop3A_512[%parallel_loop3A_76] : memref<1000xf32, #tpu.memory_space<vmem>>[vector<16xi32>], vector<16xf32>,
        %parallel_loop3A_514 = arith.constant 16 : i32
        %parallel_loop3A_515 = arith.muli %parallel_loop3A_69, %parallel_loop3A_514 : i32
        %parallel_loop3A_516 = arith.constant 41 : i32
        %parallel_loop3A_517 = arith.index_cast %and3A_44 : i32 to index
        %parallel_loop3A_518 = arith.index_cast %parallel_loop3A_516 : i32 to index
        %parallel_loop3A_519 = arith.index_cast %parallel_loop3A_515 : i32 to index
        %parallel_loop3A_520 = tpu.vector_load %arg7[%parallel_loop3A_517, %parallel_loop3A_518, %parallel_loop3A_519] {strides = array<i32>} : memref<2x64x256xf32, #tpu.memory_space<vmem>>, vector<16xf32>,
        tpu.vector_store %arg7[%parallel_loop3A_517, %parallel_loop3A_518, %parallel_loop3A_519], %parallel_loop3A_433 {strides = array<i32>} : memref<2x64x256xf32, #tpu.memory_space<vmem>>, vector<16xf32>,
        %parallel_loop3A_521 = arith.constant 50000 : i32
        %parallel_loop3A_522 = tpu.memref_slice %arg5[%parallel_loop3A_521] : memref<64000xf32, #tpu.memory_space<vmem>> -> memref<1000xf32, #tpu.memory_space<vmem>>
        %parallel_loop3A_523 = tpu.vector_load_idx %parallel_loop3A_522[%parallel_loop3A_76] : memref<1000xf32, #tpu.memory_space<vmem>>[vector<16xi32>], vector<16xf32>,
        %parallel_loop3A_524 = arith.constant 16 : i32
        %parallel_loop3A_525 = arith.muli %parallel_loop3A_69, %parallel_loop3A_524 : i32
        %parallel_loop3A_526 = arith.constant 42 : i32
        %parallel_loop3A_527 = arith.index_cast %and3A_44 : i32 to index
        %parallel_loop3A_528 = arith.index_cast %parallel_loop3A_526 : i32 to index
        %parallel_loop3A_529 = arith.index_cast %parallel_loop3A_525 : i32 to index
        %parallel_loop3A_530 = tpu.vector_load %arg7[%parallel_loop3A_527, %parallel_loop3A_528, %parallel_loop3A_529] {strides = array<i32>} : memref<2x64x256xf32, #tpu.memory_space<vmem>>, vector<16xf32>,
        tpu.vector_store %arg7[%parallel_loop3A_527, %parallel_loop3A_528, %parallel_loop3A_529], %parallel_loop3A_443 {strides = array<i32>} : memref<2x64x256xf32, #tpu.memory_space<vmem>>, vector<16xf32>,
        %parallel_loop3A_531 = arith.constant 51000 : i32
        %parallel_loop3A_532 = tpu.memref_slice %arg5[%parallel_loop3A_531] : memref<64000xf32, #tpu.memory_space<vmem>> -> memref<1000xf32, #tpu.memory_space<vmem>>
        %parallel_loop3A_533 = tpu.vector_load_idx %parallel_loop3A_532[%parallel_loop3A_76] : memref<1000xf32, #tpu.memory_space<vmem>>[vector<16xi32>], vector<16xf32>,
        %parallel_loop3A_534 = arith.constant 16 : i32
        %parallel_loop3A_535 = arith.muli %parallel_loop3A_69, %parallel_loop3A_534 : i32
        %parallel_loop3A_536 = arith.constant 43 : i32
        %parallel_loop3A_537 = arith.index_cast %and3A_44 : i32 to index
        %parallel_loop3A_538 = arith.index_cast %parallel_loop3A_536 : i32 to index
        %parallel_loop3A_539 = arith.index_cast %parallel_loop3A_535 : i32 to index
        %parallel_loop3A_540 = tpu.vector_load %arg7[%parallel_loop3A_537, %parallel_loop3A_538, %parallel_loop3A_539] {strides = array<i32>} : memref<2x64x256xf32, #tpu.memory_space<vmem>>, vector<16xf32>,
        tpu.vector_store %arg7[%parallel_loop3A_537, %parallel_loop3A_538, %parallel_loop3A_539], %parallel_loop3A_453 {strides = array<i32>} : memref<2x64x256xf32, #tpu.memory_space<vmem>>, vector<16xf32>,
        %parallel_loop3A_541 = arith.constant 52000 : i32
        %parallel_loop3A_542 = tpu.memref_slice %arg5[%parallel_loop3A_541] : memref<64000xf32, #tpu.memory_space<vmem>> -> memref<1000xf32, #tpu.memory_space<vmem>>
        %parallel_loop3A_543 = tpu.vector_load_idx %parallel_loop3A_542[%parallel_loop3A_76] : memref<1000xf32, #tpu.memory_space<vmem>>[vector<16xi32>], vector<16xf32>,
        %parallel_loop3A_544 = arith.constant 16 : i32
        %parallel_loop3A_545 = arith.muli %parallel_loop3A_69, %parallel_loop3A_544 : i32
        %parallel_loop3A_546 = arith.constant 44 : i32
        %parallel_loop3A_547 = arith.index_cast %and3A_44 : i32 to index
        %parallel_loop3A_548 = arith.index_cast %parallel_loop3A_546 : i32 to index
        %parallel_loop3A_549 = arith.index_cast %parallel_loop3A_545 : i32 to index
        %parallel_loop3A_550 = tpu.vector_load %arg7[%parallel_loop3A_547, %parallel_loop3A_548, %parallel_loop3A_549] {strides = array<i32>} : memref<2x64x256xf32, #tpu.memory_space<vmem>>, vector<16xf32>,
        tpu.vector_store %arg7[%parallel_loop3A_547, %parallel_loop3A_548, %parallel_loop3A_549], %parallel_loop3A_463 {strides = array<i32>} : memref<2x64x256xf32, #tpu.memory_space<vmem>>, vector<16xf32>,
        %parallel_loop3A_551 = arith.constant 53000 : i32
        %parallel_loop3A_552 = tpu.memref_slice %arg5[%parallel_loop3A_551] : memref<64000xf32, #tpu.memory_space<vmem>> -> memref<1000xf32, #tpu.memory_space<vmem>>
        %parallel_loop3A_553 = tpu.vector_load_idx %parallel_loop3A_552[%parallel_loop3A_76] : memref<1000xf32, #tpu.memory_space<vmem>>[vector<16xi32>], vector<16xf32>,
        %parallel_loop3A_554 = arith.constant 16 : i32
        %parallel_loop3A_555 = arith.muli %parallel_loop3A_69, %parallel_loop3A_554 : i32
        %parallel_loop3A_556 = arith.constant 45 : i32
        %parallel_loop3A_557 = arith.index_cast %and3A_44 : i32 to index
        %parallel_loop3A_558 = arith.index_cast %parallel_loop3A_556 : i32 to index
        %parallel_loop3A_559 = arith.index_cast %parallel_loop3A_555 : i32 to index
        %parallel_loop3A_560 = tpu.vector_load %arg7[%parallel_loop3A_557, %parallel_loop3A_558, %parallel_loop3A_559] {strides = array<i32>} : memref<2x64x256xf32, #tpu.memory_space<vmem>>, vector<16xf32>,
        tpu.vector_store %arg7[%parallel_loop3A_557, %parallel_loop3A_558, %parallel_loop3A_559], %parallel_loop3A_473 {strides = array<i32>} : memref<2x64x256xf32, #tpu.memory_space<vmem>>, vector<16xf32>,
        %parallel_loop3A_561 = arith.constant 54000 : i32
        %parallel_loop3A_562 = tpu.memref_slice %arg5[%parallel_loop3A_561] : memref<64000xf32, #tpu.memory_space<vmem>> -> memref<1000xf32, #tpu.memory_space<vmem>>
        %parallel_loop3A_563 = tpu.vector_load_idx %parallel_loop3A_562[%parallel_loop3A_76] : memref<1000xf32, #tpu.memory_space<vmem>>[vector<16xi32>], vector<16xf32>,
        %parallel_loop3A_564 = arith.constant 16 : i32
        %parallel_loop3A_565 = arith.muli %parallel_loop3A_69, %parallel_loop3A_564 : i32
        %parallel_loop3A_566 = arith.constant 46 : i32
        %parallel_loop3A_567 = arith.index_cast %and3A_44 : i32 to index
        %parallel_loop3A_568 = arith.index_cast %parallel_loop3A_566 : i32 to index
        %parallel_loop3A_569 = arith.index_cast %parallel_loop3A_565 : i32 to index
        %parallel_loop3A_570 = tpu.vector_load %arg7[%parallel_loop3A_567, %parallel_loop3A_568, %parallel_loop3A_569] {strides = array<i32>} : memref<2x64x256xf32, #tpu.memory_space<vmem>>, vector<16xf32>,
        tpu.vector_store %arg7[%parallel_loop3A_567, %parallel_loop3A_568, %parallel_loop3A_569], %parallel_loop3A_483 {strides = array<i32>} : memref<2x64x256xf32, #tpu.memory_space<vmem>>, vector<16xf32>,
        %parallel_loop3A_571 = arith.constant 55000 : i32
        %parallel_loop3A_572 = tpu.memref_slice %arg5[%parallel_loop3A_571] : memref<64000xf32, #tpu.memory_space<vmem>> -> memref<1000xf32, #tpu.memory_space<vmem>>
        %parallel_loop3A_573 = tpu.vector_load_idx %parallel_loop3A_572[%parallel_loop3A_76] : memref<1000xf32, #tpu.memory_space<vmem>>[vector<16xi32>], vector<16xf32>,
        %parallel_loop3A_574 = arith.constant 16 : i32
        %parallel_loop3A_575 = arith.muli %parallel_loop3A_69, %parallel_loop3A_574 : i32
        %parallel_loop3A_576 = arith.constant 47 : i32
        %parallel_loop3A_577 = arith.index_cast %and3A_44 : i32 to index
        %parallel_loop3A_578 = arith.index_cast %parallel_loop3A_576 : i32 to index
        %parallel_loop3A_579 = arith.index_cast %parallel_loop3A_575 : i32 to index
        %parallel_loop3A_580 = tpu.vector_load %arg7[%parallel_loop3A_577, %parallel_loop3A_578, %parallel_loop3A_579] {strides = array<i32>} : memref<2x64x256xf32, #tpu.memory_space<vmem>>, vector<16xf32>,
        tpu.vector_store %arg7[%parallel_loop3A_577, %parallel_loop3A_578, %parallel_loop3A_579], %parallel_loop3A_493 {strides = array<i32>} : memref<2x64x256xf32, #tpu.memory_space<vmem>>, vector<16xf32>,
        %parallel_loop3A_581 = arith.constant 56000 : i32
        %parallel_loop3A_582 = tpu.memref_slice %arg5[%parallel_loop3A_581] : memref<64000xf32, #tpu.memory_space<vmem>> -> memref<1000xf32, #tpu.memory_space<vmem>>
        %parallel_loop3A_583 = tpu.vector_load_idx %parallel_loop3A_582[%parallel_loop3A_76] : memref<1000xf32, #tpu.memory_space<vmem>>[vector<16xi32>], vector<16xf32>,
        %parallel_loop3A_584 = arith.constant 16 : i32
        %parallel_loop3A_585 = arith.muli %parallel_loop3A_69, %parallel_loop3A_584 : i32
        %parallel_loop3A_586 = arith.constant 48 : i32
        %parallel_loop3A_587 = arith.index_cast %and3A_44 : i32 to index
        %parallel_loop3A_588 = arith.index_cast %parallel_loop3A_586 : i32 to index
        %parallel_loop3A_589 = arith.index_cast %parallel_loop3A_585 : i32 to index
        %parallel_loop3A_590 = tpu.vector_load %arg7[%parallel_loop3A_587, %parallel_loop3A_588, %parallel_loop3A_589] {strides = array<i32>} : memref<2x64x256xf32, #tpu.memory_space<vmem>>, vector<16xf32>,
        tpu.vector_store %arg7[%parallel_loop3A_587, %parallel_loop3A_588, %parallel_loop3A_589], %parallel_loop3A_503 {strides = array<i32>} : memref<2x64x256xf32, #tpu.memory_space<vmem>>, vector<16xf32>,
        %parallel_loop3A_591 = arith.constant 57000 : i32
        %parallel_loop3A_592 = tpu.memref_slice %arg5[%parallel_loop3A_591] : memref<64000xf32, #tpu.memory_space<vmem>> -> memref<1000xf32, #tpu.memory_space<vmem>>
        %parallel_loop3A_593 = tpu.vector_load_idx %parallel_loop3A_592[%parallel_loop3A_76] : memref<1000xf32, #tpu.memory_space<vmem>>[vector<16xi32>], vector<16xf32>,
        %parallel_loop3A_594 = arith.constant 16 : i32
        %parallel_loop3A_595 = arith.muli %parallel_loop3A_69, %parallel_loop3A_594 : i32
        %parallel_loop3A_596 = arith.constant 49 : i32
        %parallel_loop3A_597 = arith.index_cast %and3A_44 : i32 to index
        %parallel_loop3A_598 = arith.index_cast %parallel_loop3A_596 : i32 to index
        %parallel_loop3A_599 = arith.index_cast %parallel_loop3A_595 : i32 to index
        %parallel_loop3A_600 = tpu.vector_load %arg7[%parallel_loop3A_597, %parallel_loop3A_598, %parallel_loop3A_599] {strides = array<i32>} : memref<2x64x256xf32, #tpu.memory_space<vmem>>, vector<16xf32>,
        tpu.vector_store %arg7[%parallel_loop3A_597, %parallel_loop3A_598, %parallel_loop3A_599], %parallel_loop3A_513 {strides = array<i32>} : memref<2x64x256xf32, #tpu.memory_space<vmem>>, vector<16xf32>,
        %parallel_loop3A_601 = arith.constant 58000 : i32
        %parallel_loop3A_602 = tpu.memref_slice %arg5[%parallel_loop3A_601] : memref<64000xf32, #tpu.memory_space<vmem>> -> memref<1000xf32, #tpu.memory_space<vmem>>
        %parallel_loop3A_603 = tpu.vector_load_idx %parallel_loop3A_602[%parallel_loop3A_76] : memref<1000xf32, #tpu.memory_space<vmem>>[vector<16xi32>], vector<16xf32>,
        %parallel_loop3A_604 = arith.constant 16 : i32
        %parallel_loop3A_605 = arith.muli %parallel_loop3A_69, %parallel_loop3A_604 : i32
        %parallel_loop3A_606 = arith.constant 50 : i32
        %parallel_loop3A_607 = arith.index_cast %and3A_44 : i32 to index
        %parallel_loop3A_608 = arith.index_cast %parallel_loop3A_606 : i32 to index
        %parallel_loop3A_609 = arith.index_cast %parallel_loop3A_605 : i32 to index
        %parallel_loop3A_610 = tpu.vector_load %arg7[%parallel_loop3A_607, %parallel_loop3A_608, %parallel_loop3A_609] {strides = array<i32>} : memref<2x64x256xf32, #tpu.memory_space<vmem>>, vector<16xf32>,
        tpu.vector_store %arg7[%parallel_loop3A_607, %parallel_loop3A_608, %parallel_loop3A_609], %parallel_loop3A_523 {strides = array<i32>} : memref<2x64x256xf32, #tpu.memory_space<vmem>>, vector<16xf32>,
        %parallel_loop3A_611 = arith.constant 59000 : i32
        %parallel_loop3A_612 = tpu.memref_slice %arg5[%parallel_loop3A_611] : memref<64000xf32, #tpu.memory_space<vmem>> -> memref<1000xf32, #tpu.memory_space<vmem>>
        %parallel_loop3A_613 = tpu.vector_load_idx %parallel_loop3A_612[%parallel_loop3A_76] : memref<1000xf32, #tpu.memory_space<vmem>>[vector<16xi32>], vector<16xf32>,
        %parallel_loop3A_614 = arith.constant 16 : i32
        %parallel_loop3A_615 = arith.muli %parallel_loop3A_69, %parallel_loop3A_614 : i32
        %parallel_loop3A_616 = arith.constant 51 : i32
        %parallel_loop3A_617 = arith.index_cast %and3A_44 : i32 to index
        %parallel_loop3A_618 = arith.index_cast %parallel_loop3A_616 : i32 to index
        %parallel_loop3A_619 = arith.index_cast %parallel_loop3A_615 : i32 to index
        %parallel_loop3A_620 = tpu.vector_load %arg7[%parallel_loop3A_617, %parallel_loop3A_618, %parallel_loop3A_619] {strides = array<i32>} : memref<2x64x256xf32, #tpu.memory_space<vmem>>, vector<16xf32>,
        tpu.vector_store %arg7[%parallel_loop3A_617, %parallel_loop3A_618, %parallel_loop3A_619], %parallel_loop3A_533 {strides = array<i32>} : memref<2x64x256xf32, #tpu.memory_space<vmem>>, vector<16xf32>,
        %parallel_loop3A_621 = arith.constant 60000 : i32
        %parallel_loop3A_622 = tpu.memref_slice %arg5[%parallel_loop3A_621] : memref<64000xf32, #tpu.memory_space<vmem>> -> memref<1000xf32, #tpu.memory_space<vmem>>
        %parallel_loop3A_623 = tpu.vector_load_idx %parallel_loop3A_622[%parallel_loop3A_76] : memref<1000xf32, #tpu.memory_space<vmem>>[vector<16xi32>], vector<16xf32>,
        %parallel_loop3A_624 = arith.constant 16 : i32
        %parallel_loop3A_625 = arith.muli %parallel_loop3A_69, %parallel_loop3A_624 : i32
        %parallel_loop3A_626 = arith.constant 52 : i32
        %parallel_loop3A_627 = arith.index_cast %and3A_44 : i32 to index
        %parallel_loop3A_628 = arith.index_cast %parallel_loop3A_626 : i32 to index
        %parallel_loop3A_629 = arith.index_cast %parallel_loop3A_625 : i32 to index
        %parallel_loop3A_630 = tpu.vector_load %arg7[%parallel_loop3A_627, %parallel_loop3A_628, %parallel_loop3A_629] {strides = array<i32>} : memref<2x64x256xf32, #tpu.memory_space<vmem>>, vector<16xf32>,
        tpu.vector_store %arg7[%parallel_loop3A_627, %parallel_loop3A_628, %parallel_loop3A_629], %parallel_loop3A_543 {strides = array<i32>} : memref<2x64x256xf32, #tpu.memory_space<vmem>>, vector<16xf32>,
        %parallel_loop3A_631 = arith.constant 61000 : i32
        %parallel_loop3A_632 = tpu.memref_slice %arg5[%parallel_loop3A_631] : memref<64000xf32, #tpu.memory_space<vmem>> -> memref<1000xf32, #tpu.memory_space<vmem>>
        %parallel_loop3A_633 = tpu.vector_load_idx %parallel_loop3A_632[%parallel_loop3A_76] : memref<1000xf32, #tpu.memory_space<vmem>>[vector<16xi32>], vector<16xf32>,
        %parallel_loop3A_634 = arith.constant 16 : i32
        %parallel_loop3A_635 = arith.muli %parallel_loop3A_69, %parallel_loop3A_634 : i32
        %parallel_loop3A_636 = arith.constant 53 : i32
        %parallel_loop3A_637 = arith.index_cast %and3A_44 : i32 to index
        %parallel_loop3A_638 = arith.index_cast %parallel_loop3A_636 : i32 to index
        %parallel_loop3A_639 = arith.index_cast %parallel_loop3A_635 : i32 to index
        %parallel_loop3A_640 = tpu.vector_load %arg7[%parallel_loop3A_637, %parallel_loop3A_638, %parallel_loop3A_639] {strides = array<i32>} : memref<2x64x256xf32, #tpu.memory_space<vmem>>, vector<16xf32>,
        tpu.vector_store %arg7[%parallel_loop3A_637, %parallel_loop3A_638, %parallel_loop3A_639], %parallel_loop3A_553 {strides = array<i32>} : memref<2x64x256xf32, #tpu.memory_space<vmem>>, vector<16xf32>,
        %parallel_loop3A_641 = arith.constant 62000 : i32
        %parallel_loop3A_642 = tpu.memref_slice %arg5[%parallel_loop3A_641] : memref<64000xf32, #tpu.memory_space<vmem>> -> memref<1000xf32, #tpu.memory_space<vmem>>
        %parallel_loop3A_643 = tpu.vector_load_idx %parallel_loop3A_642[%parallel_loop3A_76] : memref<1000xf32, #tpu.memory_space<vmem>>[vector<16xi32>], vector<16xf32>,
        %parallel_loop3A_644 = arith.constant 16 : i32
        %parallel_loop3A_645 = arith.muli %parallel_loop3A_69, %parallel_loop3A_644 : i32
        %parallel_loop3A_646 = arith.constant 54 : i32
        %parallel_loop3A_647 = arith.index_cast %and3A_44 : i32 to index
        %parallel_loop3A_648 = arith.index_cast %parallel_loop3A_646 : i32 to index
        %parallel_loop3A_649 = arith.index_cast %parallel_loop3A_645 : i32 to index
        %parallel_loop3A_650 = tpu.vector_load %arg7[%parallel_loop3A_647, %parallel_loop3A_648, %parallel_loop3A_649] {strides = array<i32>} : memref<2x64x256xf32, #tpu.memory_space<vmem>>, vector<16xf32>,
        tpu.vector_store %arg7[%parallel_loop3A_647, %parallel_loop3A_648, %parallel_loop3A_649], %parallel_loop3A_563 {strides = array<i32>} : memref<2x64x256xf32, #tpu.memory_space<vmem>>, vector<16xf32>,
        %parallel_loop3A_651 = arith.constant 63000 : i32
        %parallel_loop3A_652 = tpu.memref_slice %arg5[%parallel_loop3A_651] : memref<64000xf32, #tpu.memory_space<vmem>> -> memref<1000xf32, #tpu.memory_space<vmem>>
        %parallel_loop3A_653 = tpu.vector_load_idx %parallel_loop3A_652[%parallel_loop3A_76] : memref<1000xf32, #tpu.memory_space<vmem>>[vector<16xi32>], vector<16xf32>,
        %parallel_loop3A_654 = arith.constant 16 : i32
        %parallel_loop3A_655 = arith.muli %parallel_loop3A_69, %parallel_loop3A_654 : i32
        %parallel_loop3A_656 = arith.constant 55 : i32
        %parallel_loop3A_657 = arith.index_cast %and3A_44 : i32 to index
        %parallel_loop3A_658 = arith.index_cast %parallel_loop3A_656 : i32 to index
        %parallel_loop3A_659 = arith.index_cast %parallel_loop3A_655 : i32 to index
        %parallel_loop3A_660 = tpu.vector_load %arg7[%parallel_loop3A_657, %parallel_loop3A_658, %parallel_loop3A_659] {strides = array<i32>} : memref<2x64x256xf32, #tpu.memory_space<vmem>>, vector<16xf32>,
        tpu.vector_store %arg7[%parallel_loop3A_657, %parallel_loop3A_658, %parallel_loop3A_659], %parallel_loop3A_573 {strides = array<i32>} : memref<2x64x256xf32, #tpu.memory_space<vmem>>, vector<16xf32>,
        %parallel_loop3A_661 = arith.constant 16 : i32
        %parallel_loop3A_662 = arith.muli %parallel_loop3A_69, %parallel_loop3A_661 : i32
        %parallel_loop3A_663 = arith.constant 56 : i32
        %parallel_loop3A_664 = arith.index_cast %and3A_44 : i32 to index
        %parallel_loop3A_665 = arith.index_cast %parallel_loop3A_663 : i32 to index
        %parallel_loop3A_666 = arith.index_cast %parallel_loop3A_662 : i32 to index
        %parallel_loop3A_667 = tpu.vector_load %arg7[%parallel_loop3A_664, %parallel_loop3A_665, %parallel_loop3A_666] {strides = array<i32>} : memref<2x64x256xf32, #tpu.memory_space<vmem>>, vector<16xf32>,
        tpu.vector_store %arg7[%parallel_loop3A_664, %parallel_loop3A_665, %parallel_loop3A_666], %parallel_loop3A_583 {strides = array<i32>} : memref<2x64x256xf32, #tpu.memory_space<vmem>>, vector<16xf32>,
        %parallel_loop3A_668 = arith.constant 16 : i32
        %parallel_loop3A_669 = arith.muli %parallel_loop3A_69, %parallel_loop3A_668 : i32
        %parallel_loop3A_670 = arith.constant 57 : i32
        %parallel_loop3A_671 = arith.index_cast %and3A_44 : i32 to index
        %parallel_loop3A_672 = arith.index_cast %parallel_loop3A_670 : i32 to index
        %parallel_loop3A_673 = arith.index_cast %parallel_loop3A_669 : i32 to index
        %parallel_loop3A_674 = tpu.vector_load %arg7[%parallel_loop3A_671, %parallel_loop3A_672, %parallel_loop3A_673] {strides = array<i32>} : memref<2x64x256xf32, #tpu.memory_space<vmem>>, vector<16xf32>,
        tpu.vector_store %arg7[%parallel_loop3A_671, %parallel_loop3A_672, %parallel_loop3A_673], %parallel_loop3A_593 {strides = array<i32>} : memref<2x64x256xf32, #tpu.memory_space<vmem>>, vector<16xf32>,
        %parallel_loop3A_675 = arith.constant 16 : i32
        %parallel_loop3A_676 = arith.muli %parallel_loop3A_69, %parallel_loop3A_675 : i32
        %parallel_loop3A_677 = arith.constant 58 : i32
        %parallel_loop3A_678 = arith.index_cast %and3A_44 : i32 to index
        %parallel_loop3A_679 = arith.index_cast %parallel_loop3A_677 : i32 to index
        %parallel_loop3A_680 = arith.index_cast %parallel_loop3A_676 : i32 to index
        %parallel_loop3A_681 = tpu.vector_load %arg7[%parallel_loop3A_678, %parallel_loop3A_679, %parallel_loop3A_680] {strides = array<i32>} : memref<2x64x256xf32, #tpu.memory_space<vmem>>, vector<16xf32>,
        tpu.vector_store %arg7[%parallel_loop3A_678, %parallel_loop3A_679, %parallel_loop3A_680], %parallel_loop3A_603 {strides = array<i32>} : memref<2x64x256xf32, #tpu.memory_space<vmem>>, vector<16xf32>,
        %parallel_loop3A_682 = arith.constant 16 : i32
        %parallel_loop3A_683 = arith.muli %parallel_loop3A_69, %parallel_loop3A_682 : i32
        %parallel_loop3A_684 = arith.constant 59 : i32
        %parallel_loop3A_685 = arith.index_cast %and3A_44 : i32 to index
        %parallel_loop3A_686 = arith.index_cast %parallel_loop3A_684 : i32 to index
        %parallel_loop3A_687 = arith.index_cast %parallel_loop3A_683 : i32 to index
        %parallel_loop3A_688 = tpu.vector_load %arg7[%parallel_loop3A_685, %parallel_loop3A_686, %parallel_loop3A_687] {strides = array<i32>} : memref<2x64x256xf32, #tpu.memory_space<vmem>>, vector<16xf32>,
        tpu.vector_store %arg7[%parallel_loop3A_685, %parallel_loop3A_686, %parallel_loop3A_687], %parallel_loop3A_613 {strides = array<i32>} : memref<2x64x256xf32, #tpu.memory_space<vmem>>, vector<16xf32>,
        %parallel_loop3A_689 = arith.constant 16 : i32
        %parallel_loop3A_690 = arith.muli %parallel_loop3A_69, %parallel_loop3A_689 : i32
        %parallel_loop3A_691 = arith.constant 60 : i32
        %parallel_loop3A_692 = arith.index_cast %and3A_44 : i32 to index
        %parallel_loop3A_693 = arith.index_cast %parallel_loop3A_691 : i32 to index
        %parallel_loop3A_694 = arith.index_cast %parallel_loop3A_690 : i32 to index
        %parallel_loop3A_695 = tpu.vector_load %arg7[%parallel_loop3A_692, %parallel_loop3A_693, %parallel_loop3A_694] {strides = array<i32>} : memref<2x64x256xf32, #tpu.memory_space<vmem>>, vector<16xf32>,
        tpu.vector_store %arg7[%parallel_loop3A_692, %parallel_loop3A_693, %parallel_loop3A_694], %parallel_loop3A_623 {strides = array<i32>} : memref<2x64x256xf32, #tpu.memory_space<vmem>>, vector<16xf32>,
        %parallel_loop3A_696 = arith.constant 16 : i32
        %parallel_loop3A_697 = arith.muli %parallel_loop3A_69, %parallel_loop3A_696 : i32
        %parallel_loop3A_698 = arith.constant 61 : i32
        %parallel_loop3A_699 = arith.index_cast %and3A_44 : i32 to index
        %parallel_loop3A_700 = arith.index_cast %parallel_loop3A_698 : i32 to index
        %parallel_loop3A_701 = arith.index_cast %parallel_loop3A_697 : i32 to index
        %parallel_loop3A_702 = tpu.vector_load %arg7[%parallel_loop3A_699, %parallel_loop3A_700, %parallel_loop3A_701] {strides = array<i32>} : memref<2x64x256xf32, #tpu.memory_space<vmem>>, vector<16xf32>,
        tpu.vector_store %arg7[%parallel_loop3A_699, %parallel_loop3A_700, %parallel_loop3A_701], %parallel_loop3A_633 {strides = array<i32>} : memref<2x64x256xf32, #tpu.memory_space<vmem>>, vector<16xf32>,
        %parallel_loop3A_703 = arith.constant 16 : i32
        %parallel_loop3A_704 = arith.muli %parallel_loop3A_69, %parallel_loop3A_703 : i32
        %parallel_loop3A_705 = arith.constant 62 : i32
        %parallel_loop3A_706 = arith.index_cast %and3A_44 : i32 to index
        %parallel_loop3A_707 = arith.index_cast %parallel_loop3A_705 : i32 to index
        %parallel_loop3A_708 = arith.index_cast %parallel_loop3A_704 : i32 to index
        %parallel_loop3A_709 = tpu.vector_load %arg7[%parallel_loop3A_706, %parallel_loop3A_707, %parallel_loop3A_708] {strides = array<i32>} : memref<2x64x256xf32, #tpu.memory_space<vmem>>, vector<16xf32>,
        tpu.vector_store %arg7[%parallel_loop3A_706, %parallel_loop3A_707, %parallel_loop3A_708], %parallel_loop3A_643 {strides = array<i32>} : memref<2x64x256xf32, #tpu.memory_space<vmem>>, vector<16xf32>,
        %parallel_loop3A_710 = arith.constant 16 : i32
        %parallel_loop3A_711 = arith.muli %parallel_loop3A_69, %parallel_loop3A_710 : i32
        %parallel_loop3A_712 = arith.constant 63 : i32
        %parallel_loop3A_713 = arith.index_cast %and3A_44 : i32 to index
        %parallel_loop3A_714 = arith.index_cast %parallel_loop3A_712 : i32 to index
        %parallel_loop3A_715 = arith.index_cast %parallel_loop3A_711 : i32 to index
        %parallel_loop3A_716 = tpu.vector_load %arg7[%parallel_loop3A_713, %parallel_loop3A_714, %parallel_loop3A_715] {strides = array<i32>} : memref<2x64x256xf32, #tpu.memory_space<vmem>>, vector<16xf32>,
        tpu.vector_store %arg7[%parallel_loop3A_713, %parallel_loop3A_714, %parallel_loop3A_715], %parallel_loop3A_653 {strides = array<i32>} : memref<2x64x256xf32, #tpu.memory_space<vmem>>, vector<16xf32>,
      } {sc.loop_unroll_factor = 4 : i64, sc.parallel_access}
      %eq3A_59 = arith.constant 0 : i32
      %eq3A_60 = arith.cmpi eq, %and3A_44, %eq3A_59 : i32
      %convert_element_type3A_61 = arith.extui %eq3A_60 : i1 to i32
      %cond3A_62 = arith.constant 0 : i32
      %cond3A_63 = arith.cmpi ne, %convert_element_type3A_61, %cond3A_62 : i32
      scf.if %cond3A_63 {
        %shift_right_arithmetic3A = arith.constant 1 : i32
        %shift_right_arithmetic3A_69 = arith.shrsi %scan3A_43, %shift_right_arithmetic3A : i32
        %and3A_70 = arith.constant 1 : i32
        %and3A_71 = arith.andi %scan3A_43, %and3A_70 : i32
        %mul3A_72 = arith.constant 256 : i32
        %mul3A_73 = arith.muli %and3A_71, %mul3A_72 : i32
        %add3A_74 = arith.addi %mul3A_2, %mul3A_73 : i32
        %dma_start3A = arith.constant 0 : i32
        %dma_start3A_75 = arith.constant 0 : i32
        %dma_start3A_76 = arith.constant 0 : i32
        %dma_start3A_77 = tpu.memref_slice %arg7[%dma_start3A, %dma_start3A_75, %dma_start3A_76] : memref<2x64x256xf32, #tpu.memory_space<vmem>> -> memref<1x64x256xf32, #tpu.memory_space<vmem>>
        %dma_start3A_78 = tpu.memref_squeeze %dma_start3A_77 : memref<1x64x256xf32, #tpu.memory_space<vmem>> -> memref<64x256xf32, #tpu.memory_space<vmem>>
        %dma_start3A_79 = arith.constant 0 : i32
        %dma_start3A_80 = tpu.memref_slice %arg4[%shift_right_arithmetic3A_69, %dma_start3A_79, %add3A_74] : memref<50x64x16384xf32, #tpu.memory_space<hbm>> -> memref<1x64x256xf32, #tpu.memory_space<hbm>>
        %dma_start3A_81 = tpu.memref_squeeze %dma_start3A_80 : memref<1x64x256xf32, #tpu.memory_space<hbm>> -> memref<64x256xf32, #tpu.memory_space<hbm>>
        %dma_start3A_82 = arith.constant 0 : i32
        %dma_start3A_83 = tpu.memref_slice %arg4[%shift_right_arithmetic3A_69, %dma_start3A_82, %add3A_74] : memref<50x64x16384xf32, #tpu.memory_space<hbm>> -> memref<1x64x256xf32, #tpu.memory_space<hbm>>
        %dma_start3A_84 = tpu.memref_squeeze %dma_start3A_83 : memref<1x64x256xf32, #tpu.memory_space<hbm>> -> memref<64x256xf32, #tpu.memory_space<hbm>>
        %dma_start3A_85 = arith.constant 0 : i32
        %dma_start3A_86 = arith.constant 0 : i32
        %dma_start3A_87 = tpu.memref_slice %arg7[%dma_start3A, %dma_start3A_85, %dma_start3A_86] : memref<2x64x256xf32, #tpu.memory_space<vmem>> -> memref<1x64x256xf32, #tpu.memory_space<vmem>>
        %dma_start3A_88 = tpu.memref_squeeze %dma_start3A_87 : memref<1x64x256xf32, #tpu.memory_space<vmem>> -> memref<64x256xf32, #tpu.memory_space<vmem>>
        tpu.enqueue_dma source(%dma_start3A_88 : memref<64x256xf32, #tpu.memory_space<vmem>>) target(%dma_start3A_84 : memref<64x256xf32, #tpu.memory_space<hbm>>) target_semaphore(%arg8 : memref<!tpu.dma_semaphore, #tpu.memory_space<semaphore_mem>>)
      } else {
      }
      %eq3A_64 = arith.constant 1 : i32
      %eq3A_65 = arith.cmpi eq, %and3A_44, %eq3A_64 : i32
      %convert_element_type3A_66 = arith.extui %eq3A_65 : i1 to i32
      %cond3A_67 = arith.constant 0 : i32
      %cond3A_68 = arith.cmpi ne, %convert_element_type3A_66, %cond3A_67 : i32
      scf.if %cond3A_68 {
        %shift_right_arithmetic3A = arith.constant 1 : i32
        %shift_right_arithmetic3A_69 = arith.shrsi %scan3A_43, %shift_right_arithmetic3A : i32
        %and3A_70 = arith.constant 1 : i32
        %and3A_71 = arith.andi %scan3A_43, %and3A_70 : i32
        %mul3A_72 = arith.constant 256 : i32
        %mul3A_73 = arith.muli %and3A_71, %mul3A_72 : i32
        %add3A_74 = arith.addi %mul3A_2, %mul3A_73 : i32
        %dma_start3A = arith.constant 1 : i32
        %dma_start3A_75 = arith.constant 0 : i32
        %dma_start3A_76 = arith.constant 0 : i32
        %dma_start3A_77 = tpu.memref_slice %arg7[%dma_start3A, %dma_start3A_75, %dma_start3A_76] : memref<2x64x256xf32, #tpu.memory_space<vmem>> -> memref<1x64x256xf32, #tpu.memory_space<vmem>>
        %dma_start3A_78 = tpu.memref_squeeze %dma_start3A_77 : memref<1x64x256xf32, #tpu.memory_space<vmem>> -> memref<64x256xf32, #tpu.memory_space<vmem>>
        %dma_start3A_79 = arith.constant 0 : i32
        %dma_start3A_80 = tpu.memref_slice %arg4[%shift_right_arithmetic3A_69, %dma_start3A_79, %add3A_74] : memref<50x64x16384xf32, #tpu.memory_space<hbm>> -> memref<1x64x256xf32, #tpu.memory_space<hbm>>
        %dma_start3A_81 = tpu.memref_squeeze %dma_start3A_80 : memref<1x64x256xf32, #tpu.memory_space<hbm>> -> memref<64x256xf32, #tpu.memory_space<hbm>>
        %dma_start3A_82 = arith.constant 0 : i32
        %dma_start3A_83 = tpu.memref_slice %arg4[%shift_right_arithmetic3A_69, %dma_start3A_82, %add3A_74] : memref<50x64x16384xf32, #tpu.memory_space<hbm>> -> memref<1x64x256xf32, #tpu.memory_space<hbm>>
        %dma_start3A_84 = tpu.memref_squeeze %dma_start3A_83 : memref<1x64x256xf32, #tpu.memory_space<hbm>> -> memref<64x256xf32, #tpu.memory_space<hbm>>
        %dma_start3A_85 = arith.constant 0 : i32
        %dma_start3A_86 = arith.constant 0 : i32
        %dma_start3A_87 = tpu.memref_slice %arg7[%dma_start3A, %dma_start3A_85, %dma_start3A_86] : memref<2x64x256xf32, #tpu.memory_space<vmem>> -> memref<1x64x256xf32, #tpu.memory_space<vmem>>
        %dma_start3A_88 = tpu.memref_squeeze %dma_start3A_87 : memref<1x64x256xf32, #tpu.memory_space<vmem>> -> memref<64x256xf32, #tpu.memory_space<vmem>>
        tpu.enqueue_dma source(%dma_start3A_88 : memref<64x256xf32, #tpu.memory_space<vmem>>) target(%dma_start3A_84 : memref<64x256xf32, #tpu.memory_space<hbm>>) target_semaphore(%arg9 : memref<!tpu.dma_semaphore, #tpu.memory_space<semaphore_mem>>)
      } else {
      }
    }
    %scan3A_7 = arith.constant 100 : i32
    %dma_wait3A = arith.constant 0 : i32
    %dma_wait3A_8 = arith.constant 0 : i32
    %dma_wait3A_9 = arith.constant 0 : i32
    %dma_wait3A_10 = arith.constant 0 : i32
    %dma_wait3A_11 = tpu.memref_slice %arg7[%dma_wait3A_8, %dma_wait3A_9, %dma_wait3A_10] : memref<2x64x256xf32, #tpu.memory_space<vmem>> -> memref<1x64x256xf32, #tpu.memory_space<vmem>>
    %dma_wait3A_12 = tpu.memref_squeeze %dma_wait3A_11 : memref<1x64x256xf32, #tpu.memory_space<vmem>> -> memref<64x256xf32, #tpu.memory_space<vmem>>
    %dma_wait3A_13 = arith.constant 0 : i32
    %dma_wait3A_14 = arith.constant 0 : i32
    %dma_wait3A_15 = tpu.memref_slice %arg4[%dma_wait3A, %dma_wait3A_13, %dma_wait3A_14] : memref<50x64x16384xf32, #tpu.memory_space<hbm>> -> memref<1x64x256xf32, #tpu.memory_space<hbm>>
    %dma_wait3A_16 = tpu.memref_squeeze %dma_wait3A_15 : memref<1x64x256xf32, #tpu.memory_space<hbm>> -> memref<64x256xf32, #tpu.memory_space<hbm>>
    %dma_wait3A_17 = arith.constant 0 : i32
    %dma_wait3A_18 = arith.constant 0 : i32
    %dma_wait3A_19 = tpu.memref_slice %arg7[%dma_wait3A_8, %dma_wait3A_17, %dma_wait3A_18] : memref<2x64x256xf32, #tpu.memory_space<vmem>> -> memref<1x64x256xf32, #tpu.memory_space<vmem>>
    %dma_wait3A_20 = tpu.memref_squeeze %dma_wait3A_19 : memref<1x64x256xf32, #tpu.memory_space<vmem>> -> memref<64x256xf32, #tpu.memory_space<vmem>>
    %dma_wait3A_21 = arith.constant 0 : i32
    %dma_wait3A_22 = arith.constant 0 : i32
    %dma_wait3A_23 = tpu.memref_slice %arg4[%dma_wait3A, %dma_wait3A_21, %dma_wait3A_22] : memref<50x64x16384xf32, #tpu.memory_space<hbm>> -> memref<1x64x256xf32, #tpu.memory_space<hbm>>
    %dma_wait3A_24 = tpu.memref_squeeze %dma_wait3A_23 : memref<1x64x256xf32, #tpu.memory_space<hbm>> -> memref<64x256xf32, #tpu.memory_space<hbm>>
    tpu.wait_dma2 semaphore(%arg8 : memref<!tpu.dma_semaphore, #tpu.memory_space<semaphore_mem>>) src(%dma_wait3A_24 : memref<64x256xf32, #tpu.memory_space<hbm>>) dst(%dma_wait3A_20 : memref<64x256xf32, #tpu.memory_space<vmem>>)
    %dma_wait3A_25 = arith.constant 0 : i32
    %dma_wait3A_26 = arith.constant 1 : i32
    %dma_wait3A_27 = arith.constant 0 : i32
    %dma_wait3A_28 = arith.constant 0 : i32
    %dma_wait3A_29 = tpu.memref_slice %arg7[%dma_wait3A_26, %dma_wait3A_27, %dma_wait3A_28] : memref<2x64x256xf32, #tpu.memory_space<vmem>> -> memref<1x64x256xf32, #tpu.memory_space<vmem>>
    %dma_wait3A_30 = tpu.memref_squeeze %dma_wait3A_29 : memref<1x64x256xf32, #tpu.memory_space<vmem>> -> memref<64x256xf32, #tpu.memory_space<vmem>>
    %dma_wait3A_31 = arith.constant 0 : i32
    %dma_wait3A_32 = arith.constant 0 : i32
    %dma_wait3A_33 = tpu.memref_slice %arg4[%dma_wait3A_25, %dma_wait3A_31, %dma_wait3A_32] : memref<50x64x16384xf32, #tpu.memory_space<hbm>> -> memref<1x64x256xf32, #tpu.memory_space<hbm>>
    %dma_wait3A_34 = tpu.memref_squeeze %dma_wait3A_33 : memref<1x64x256xf32, #tpu.memory_space<hbm>> -> memref<64x256xf32, #tpu.memory_space<hbm>>
    %dma_wait3A_35 = arith.constant 0 : i32
    %dma_wait3A_36 = arith.constant 0 : i32
    %dma_wait3A_37 = tpu.memref_slice %arg7[%dma_wait3A_26, %dma_wait3A_35, %dma_wait3A_36] : memref<2x64x256xf32, #tpu.memory_space<vmem>> -> memref<1x64x256xf32, #tpu.memory_space<vmem>>
    %dma_wait3A_38 = tpu.memref_squeeze %dma_wait3A_37 : memref<1x64x256xf32, #tpu.memory_space<vmem>> -> memref<64x256xf32, #tpu.memory_space<vmem>>
    %dma_wait3A_39 = arith.constant 0 : i32
    %dma_wait3A_40 = arith.constant 0 : i32
    %dma_wait3A_41 = tpu.memref_slice %arg4[%dma_wait3A_25, %dma_wait3A_39, %dma_wait3A_40] : memref<50x64x16384xf32, #tpu.memory_space<hbm>> -> memref<1x64x256xf32, #tpu.memory_space<hbm>>
    %dma_wait3A_42 = tpu.memref_squeeze %dma_wait3A_41 : memref<1x64x256xf32, #tpu.memory_space<hbm>> -> memref<64x256xf32, #tpu.memory_space<hbm>>
    tpu.wait_dma2 semaphore(%arg9 : memref<!tpu.dma_semaphore, #tpu.memory_space<semaphore_mem>>) src(%dma_wait3A_42 : memref<64x256xf32, #tpu.memory_space<hbm>>) dst(%dma_wait3A_38 : memref<64x256xf32, #tpu.memory_space<vmem>>)
    return
  }
}

</mosaic_0001>

<sc_bundles>
// kernel: kernel.3.cloned.1.call-start
scs
__scs_entry_jumppad:
0x0: {  	(pc) =	sbr.rel $0x88, $3  }
0x1: {  	(tag) =	ssettag $0x0;
	lr =	simm.s32 $0x1  }
0x2: {  	[smem:$0x3F9F] =	sst lr;
	_ =	strace $0xD0000000  }
0x3: {  	_ = 	snop  }
0x4: {  	_ = 	snop  }
0x5: {  	_ = 	snop  }
0x6: {  	_ = 	snop  }
0x7: {  	_ = 	snop  }
__scs_overlays_trampoline_lowered:
0x8: {  	[smem:$0x3FAE] =	sst s0  }
0x9: {  	[smem:$0x3FAF] =	sst s1  }
0xa: {  	[smem:$0x3FB0] =	sst s2  }
0xb: {  	[smem:$0x3FB1] =	sst s3  }
0xc: {  	[smem:$0x3FB2] =	sst s4  }
0xd: {  	[smem:$0x3FB3] =	sst s5  }
0xe: {  	[smem:$0x3FB4] =	sst s6  }
0xf: {  	[smem:$0x3FB5] =	sst s7  }
0x10: {  	[smem:$0x3FB6] =	sst s8  }
0x11: {  	[smem:$0x3FB7] =	sst s9;
	s0 =	simm.s32 @!p0 $0x0  }
0x12: {  	s1 =	sld [smem:$0x3F9D];
	s0 =	simm.s32 @p0 $0x1  }
0x13: {  	[smem:$0x3FB8] =	sst s0;
	s0 =	simm.s32 @!p1 $0x0  }
0x14: {  	s2 =	sld [smem:$0x3F9C];
	s0 =	simm.s32 @p1 $0x1  }
0x15: {  	[smem:$0x3FB9] =	sst s0;
	s0 =	simm.s32 @!p2 $0x0  }
0x16: {  	s3 =	sld [smem:$0x3FDB];
	s0 =	simm.s32 @p2 $0x1  }
0x17: {  	s4 =	simm.s32 $0x1BF5;
	[smem:$0x3FBB] =	sst s0  }
0x18: {  	s0 =	sld [smem:$0x3F9E];
	_ =	swait.ge [sflag:s4], $0x0  }
0x19: {  	s7 =	sld [smem:$0x3F9F]  }
0x1a: {  	s8 =	sadd.s32 $0xFFFFE003, lr  }
0x1b: {  	s9 =	sadd.s32 $0xFFFFFEF7, lr;
	s5 =	simm.s32 $0xFFFFFFFF;
	p2 =	slt.u32 s8, $0xFFFFF086  }
0x1c: {  	p1 =	slt.u32 s9, $0xF7A;
	s5 =	simm.s32 @!p2 $0x0  }
0x1d: {  	s5 =	simm.s32 @p1 $0x1;
	p0 =	seq.s32 s7, s2  }
0x1e: {  	s7 =	smul.u32 @!p0 $0xF7A, s2;
	p2 =	seq.s32 @!p0 s5, $0x0  }
0x1f: {  	s9 =	smul.u32 $0xF7A, s1;
	s8 =	simm.s32 @!p0 $0x1BF5;
	p2 =	por !p2, p0  }
0x20: {  	[sflag:s8] =	ssyncset.s32 @!p0 $0xFFFFF086;
	s6 =	sadd.s32 @!p0 s3, s7;
	s7 =	simm.s32 @!p0 $0x108  }
0x21: {  	s3 =	sadd.s32 s3, s9;
	s6 =	sadd.s32 @!p0 $0x88, s6;
	s7 =	simm.s32 @p2 $0x1082  }
0x22: {  	[simem:s7], [sflag:s8] =	dma.local @!p0 [hbm:s6], $0xF7A  }
0x23: {  	s9 =	sor.u32 $0xD0000000, s2;
	s6 =	simm.s32 $0x108;
	_ =	swait.ge @!p0 [sflag:s8], $0x0  }
0x24: {  	s3 =	sadd.s32 $0x88, s3;
	s6 =	simm.s32 @!p1 $0x1082;
	[sflag:s4] =	ssyncset.s32 $0xFFFFF086  }
0x25: {  	[simem:s6], [sflag:s4] =	dma.local [hbm:s3], $0xF7A  }
0x26: {  	[smem:$0x3F9F] =	sst s1;
	(tag) =	ssettag s2;
	_ =	strace s9  }
0x27: {  	s1 =	sld [smem:$0x3FAF]  }
0x28: {  	s2 =	sld [smem:$0x3FB0]  }
0x29: {  	s4 =	sld [smem:$0x3FB2]  }
0x2a: {  	p0 =	seq.s32 s5, $0x0;
	s5 =	sld [smem:$0x3FB3]  }
0x2b: {  	s6 =	sld [smem:$0x3FB4]  }
0x2c: {  	s7 =	sld [smem:$0x3FB5]  }
0x2d: {  	s3 =	simm.s32 $0x108;
	s8 =	sld [smem:$0x3FB6]  }
0x2e: {  	s3 =	simm.s32 @!p0 $0x1082;
	s9 =	sld [smem:$0x3FB7]  }
0x2f: {  	lr =	sadd.s32 s0, s3;
	s0 =	sld [smem:$0x3FAE]  }
0x30: {  	s3 =	sld [smem:$0x3FB1]  }
0x31: {  	[smem:$0x3FBA] =	sst s10  }
0x32: {  	s10 =	sld [smem:$0x3FB8];
	_ =	sdelay $0x3  }
0x33: {  	p0 =	seq.s32 s10, $0x1;
	s10 =	sld [smem:$0x3FBA];
	_ =	sdelay $0x3  }
0x34: {  	[smem:$0x3FBA] =	sst s10  }
0x35: {  	s10 =	sld [smem:$0x3FB9];
	_ =	sdelay $0x3  }
0x36: {  	p1 =	seq.s32 s10, $0x1;
	s10 =	sld [smem:$0x3FBA];
	_ =	sdelay $0x3  }
0x37: {  	[smem:$0x3FBA] =	sst s10  }
0x38: {  	s10 =	sld [smem:$0x3FBB]  }
0x39: {  	_ = 	snop;
	(pc) =	sbr.ind lr, $3  }
0x3a: {  	_ = 	snop  }
0x3b: {  	_ = 	snop  }
0x3c: {  	p2 =	seq.s32 s10, $0x1;
	s10 =	sld [smem:$0x3FBA]  }
0x3d: {  	_ =	shalt  }
0x3e: {  	_ =	shalt  }
0x3f: {  	_ =	shalt  }
0x40: {  	_ =	shalt  }
0x41: {  	_ =	shalt  }
0x42: {  	_ =	shalt  }
0x43: {  	_ =	shalt  }
0x44: {  	_ =	shalt  }
0x45: {  	_ =	shalt  }
0x46: {  	_ =	shalt  }
0x47: {  	_ =	shalt  }
0x48: {  	_ =	shalt  }
0x49: {  	_ =	shalt  }
0x4a: {  	_ =	shalt  }
0x4b: {  	_ =	shalt  }
0x4c: {  	_ =	shalt  }
0x4d: {  	_ =	shalt  }
0x4e: {  	_ =	shalt  }
0x4f: {  	_ =	shalt  }
0x50: {  	_ =	shalt  }
0x51: {  	_ =	shalt  }
0x52: {  	_ =	shalt  }
0x53: {  	_ =	shalt  }
0x54: {  	_ =	shalt  }
0x55: {  	_ =	shalt  }
0x56: {  	_ =	shalt  }
0x57: {  	_ =	shalt  }
0x58: {  	_ =	shalt  }
0x59: {  	_ =	shalt  }
0x5a: {  	_ =	shalt  }
0x5b: {  	_ =	shalt  }
0x5c: {  	_ =	shalt  }
0x5d: {  	_ =	shalt  }
0x5e: {  	_ =	shalt  }
0x5f: {  	_ =	shalt  }
0x60: {  	_ =	shalt  }
0x61: {  	_ =	shalt  }
0x62: {  	_ =	shalt  }
0x63: {  	_ =	shalt  }
0x64: {  	_ =	shalt  }
0x65: {  	_ =	shalt  }
0x66: {  	_ =	shalt  }
0x67: {  	_ =	shalt  }
0x68: {  	_ =	shalt  }
0x69: {  	_ =	shalt  }
0x6a: {  	_ =	shalt  }
0x6b: {  	_ =	shalt  }
0x6c: {  	_ =	shalt  }
0x6d: {  	_ =	shalt  }
0x6e: {  	_ =	shalt  }
0x6f: {  	_ =	shalt  }
0x70: {  	_ =	shalt  }
0x71: {  	_ =	shalt  }
0x72: {  	_ =	shalt  }
0x73: {  	_ =	shalt  }
0x74: {  	_ =	shalt  }
0x75: {  	_ =	shalt  }
0x76: {  	_ =	shalt  }
0x77: {  	_ =	shalt  }
0x78: {  	_ =	shalt  }
0x79: {  	_ =	shalt  }
0x7a: {  	_ =	shalt  }
0x7b: {  	_ =	shalt  }
0x7c: {  	_ =	shalt  }
0x7d: {  	_ =	shalt  }
0x7e: {  	_ =	shalt  }
0x7f: {  	_ =	shalt  }
0x80: {  	_ =	shalt  }
0x81: {  	_ =	shalt  }
0x82: {  	_ =	shalt  }
0x83: {  	_ =	shalt  }
0x84: {  	_ =	shalt  }
0x85: {  	_ =	shalt  }
0x86: {  	_ =	shalt  }
0x87: {  	_ =	shalt  }
.Lfunc_end0:
.L_simem_size_0:
called_computation_lowered:
.L_overlay_start_0:
0x88: {  	s2 =	sld [smem:$0x3FD9]  }
0x89: {  	s3 =	sld [smem:$0x3FFE];
	_ =	sdelay $0x1  }
0x8a: {  	s1 =	srdreg.scid  }
0x8b: {  	s0 =	sand.u32 $0x1, s1  }
0x8c: {  	s17 =	sshll.u32 s0, $0xA;
	s2 =	sadd.s32 s3, s2  }
0x8d: {  	s2 =	sadd.s32 s2, s17  }
0x8e: {  	[smem:$0x3FC6] =	sst s2  }
0x8f: {  	_ = 	snop  }
0x90: {  	s2 =	sld [smem:$0x3FD0];
	(tm) =	ssettm $0x1  }
0x91: {  	s18 =	sld [smem:$0x3FFB];
	_ =	sdelay $0x3  }
0x92: {  	_ =	strace s18  }
0x93: {  	s3 =	sld [smem:$0x3FFC];
	_ =	sdelay $0x3  }
0x94: {  	_ =	strace s3  }
0x95: {  	s3 =	sld [smem:$0x3FFD];
	_ =	sdelay $0x3  }
0x96: {  	_ =	strace s3  }
0x97: {  	_ =	strace $0x8FFFFFFF  }
0x98: {  	s19 =	sld [smem:$0x3FDB];
	_ =	sdelay $0x1  }
0x99: {  	s4 =	simm.s32 $_scs_section_size  }
0x9a: {  	s5 =	simm.s32 $_size__tile_overlayer_lowered;
	s6 =	simm.s32 $_tile_overlayer_lowered  }
0x9b: {  	s22 =	simm.s32 $0x1BFF;
	s21 =	sshll.u32 s6, $0x1;
	s3 =	sadd.s32 s4, s19  }
0x9c: {  	s7 =	simm.s32 $0x0;
	s20 =	sshll.u32 s5, $0x1;
	s5 =	sadd.s32 s21, s3  }
0x9d: {  	[timem:s7], [sflag:s22] =	dma.local [hbm:s5], s20  }
0x9e: {  	_ =	swait.ge [sflag:s22], s20  }
0x9f: {  	s4 =	ssub.s32 $0x0, s20;
	[sflag:s22] =	ssyncset.done $0x0  }
0xa0: {  	[sflag:s22] =	ssyncadd.s32 s4;
	_ =	sdelay $0x1  }
0xa1: {  	s23 =	simm.s32 $0x1B8B  }
0xa2: {  	_ =	swait.ge [sflag:s23], $0x1  }
0xa3: {  	[sflag:s23] =	ssyncset.done $0x0  }
0xa4: {  	s25 =	simm.s32 $0x1B8E;
	s24 =	sld [smem:$0x3FFE];
	[sflag:s23] =	ssyncadd.s32 $0xFFFFFFFF  }
0xa5: {  	s26 =	simm.s32 $execute0_lowered;
	[smem:$0x3FD2] =	sst s25  }
0xa6: {  	s5 =	sshll.u32 s26, $0x1;
	_ =	strace $0x80000046;
	[dreg:$0x1] =	wrdreg $0xFFFFFFFF  }
0xa7: {  	s28 =	simm.s32 $_size_execute0_lowered;
	s3 =	sadd.s32 s3, s5;
	[dreg:$0x0] =	wrdreg $0x0  }
0xa8: {  	s5 =	sshll.u32 s28, $0x1;
	[dreg:$0x2] =	wrdreg s3  }
0xa9: {  	[dreg:$0x3] =	wrdreg s5  }
0xaa: {  	[dreg:$0x4] =	wrdreg $0xC0  }
0xab: {  	_ =	task [dreg:s7], $0x5FFFF  }
0xac: {  	[dreg:$0x1] =	wrdreg $0xFFFFFFFF  }
0xad: {  	[dreg:$0x0] =	wrdreg $0x60  }
0xae: {  	[dreg:$0x2] =	wrdreg s24  }
0xaf: {  	[dreg:$0x3] =	wrdreg s2  }
0xb0: {  	[dreg:$0x4] =	wrdreg $0x9  }
0xb1: {  	_ =	task.clear_ibuf [dreg:s7], $0x5FFFF;
	_ =	strace $0x90000046  }
0xb2: {  	s29 =	simm.s32 $0x9;
	_ =	strace $0x80000048  }
0xb3: {  	_ =	swait.ge [sflag:s29], $0x1  }
0xb4: {  	[sflag:s29] =	ssyncadd.s32 $0xFFFFFFFF  }
0xb5: {  	_ =	strace $0x90000048  }
0xb6: {  	_ =	sfence  }
0xb7: {  	s30 =	sld [smem:$0x0];
	_ =	sdelay $0x2  }
0xb8: {  	s31 =	sshll.u32 s1, $0xD;
	s1 =	sshrl.u32 s1, $0x2  }
0xb9: {  	s3 =	sand.u32 $0x4000, s31;
	s1 =	sadd.s32 s1, s30  }
0xba: {  	s0 =	sor.u32 s3, s0;
	s1 =	sshll.u32 s1, $0x11  }
0xbb: {  	s0 =	sor.u32 s1, s0  }
0xbc: {  	s0 =	sadd.s32 $0x8F2B, s0  }
0xbd: {  	[sflag:s0] =	ssyncadd.remote.s32 $0x1  }
0xbe: {  	_ =	sfence.sel $0xFFFF  }
0xbf: {  	[dreg:$0x0] =	wrdreg $0xFFFFFFFF;
	(pc) =	sbr.abs _section_cstart, $3  }
0xc0: {  	[dreg:$0x1] =	wrdreg $0xFFFFFFFF  }
0xc1: {  	_ =	task.clear_ibuf [dreg:s7], $0x2FFFF;
	_ =	strace $0x9FFFFFFF  }
0xc2: {  	(tm) =	ssettm $0x7FFFFFFF  }
0xc3: {  	_ =	shalt  }
tec
execute0_lowered:
.L_overlay_start_1:
0x0: {  	(tag) =	ssettag $0x1  }
0x1: {  	s0 =	srdreg.scid;
	s3 =	rddreg [dreg:$0x0]  }
0x2: {  	s2 =	stileid.u32;
	s5 =	rddreg [dreg:$0x1];
	s12 =	simm.s32 $0x0  }
0x3: {  	s14 =	simm.s32 $0x3E8;
	s16 =	simm.s32 $0x7D0;
	s18 =	simm.s32 $0xBB8  }
0x4: {  	s19 =	simm.s32 $0xFA0;
	s20 =	simm.s32 $0x1388;
	s21 =	simm.s32 $0x1770  }
0x5: {  	s6 =	simm.s32 $0x1F40;
	s7 =	simm.s32 $0x2328;
	s10 =	simm.s32 $0x2710  }
0x6: {  	s11 =	simm.s32 $0x2AF8;
	s0 =	sand.u32 $0x1, s0;
	s1 =	sshll.u32 s2, $0x1  }
0x7: {  	s2 =	sshrl.u32 s2, $0x2;
	[smem:$0x7FF] =	sst s12;
	s1 =	sor.u32 s0, s1  }
0x8: {  	s2 =	smul.u32 $0x32000, s2;
	_ =	strace $0x80000047;
	s0 =	ssub.s32 $0x2, s0  }
0x9: {  	s4 =	sshll.u32 s1, $0x7;
	s31 =	sshrl.u32 s0, $0x1;
	s1 =	sshll.u32 s1, $0x9  }
0xa: {  	s4 =	sand.u32 $0x380, s4;
	s0 =	ssub.s32 s0, s31;
	s1 =	sadd.s32 s5, s1  }
0xb: {  	s2 =	sor.u32 s2, s4;
	[dreg:$0xa] =	wrdreg s1;
	s1 =	sadd.s32 $0x100, s1  }
0xc: {  	s0 =	smax.u32 s0, $0x1;
	s2 =	sshrl.u32 s2, $0x3;
	[dreg:$0xb] =	wrdreg s1  }
0xd: {  	[dreg:$0xc] =	wrdreg s0;
	s2 =	sadd.s32 s2, s3;
	s3 =	sadd.s32 $0x400, s3  }
0xe: {  	s17 =	simm.s32 $0x2EE0;
	[dreg:$0x8] =	wrdreg s3;
	s2 =	sadd.s32 $0x2400, s2  }
0xf: {  	s5 =	simm.s32 $0x1B58;
	[dreg:$0x9] =	wrdreg s2;
	s2 =	simm.s32 $0x0  }
.LBB2_1:
0x10: {  	[dreg:$0xd] =	wrdreg s2  }
0x11: {  	s0 =	rddreg [dreg:$0x8];
	s1 =	simm.s32 $0x3  }
0x12: {  	[tilespmem:s12], [sflag:$0x3] =	stream.linear.gather [hbm4b:s0+s12], $0xFA00, $0x38;
	[tilespmem:$0x1DE00] =	vst v63  }
0x13: {  	_ =	swait.ge [sflag:s1], $0xFA00  }
0x14: {  	s31 =	simm.s32 $0x80;
	s3 =	simm.s32 $0x400;
	[sflag:s1] =	ssyncset.done $0x0  }
0x15: {  	s4 =	simm.s32 $0xFA00;
	s30 =	rddreg [dreg:$0x9];
	[sflag:s1] =	ssyncadd.s32 $0xFFFF0600  }
0x16: {  	[tilespmem:s4], [sflag:$0x3] =	stream.strided.gather [hbm4b:s30+s31], $0x6400, s3, s31, $0x38;
	[tilespmem:$0x1DE00] =	vst v63  }
0x17: {  	_ =	swait.ge [sflag:s1], $0x6400  }
0x18: {  	[sflag:s1] =	ssyncset.done $0x0  }
0x19: {  	s8 =	simm.s32 $0x0;
	s4 =	simm.s32 $0x5DC0;
	[sflag:s1] =	ssyncadd.s32 $0xFFFF9C00  }
.LBB2_2:
0x1a: {  	s3 =	sand.u32 $0x1, s8;
	p1 =	slt.u32 s8, $0x2  }
0x1b: {  	p0 =	sne.s32 @!p1 s3, $0x0  }
0x1c: {  	s1 =	sshll.u32 s8, $0x8;
	s24 =	simm.s32 $0x0;
	p2 =	por p0, p1  }
0x1d: {  	s23 =	sand.u32 $0x3FFFFF00, s1;
	s25 =	sshll.u32 s3, $0xE;
	s0 =	simm.s32 @!p2 $0x1  }
0x1e: {  	s26 =	sand.u32 $0x80, s24;
	p0 =	seq.s32 s3, $0x1;
	_ =	swait.ge @!p2 [sflag:s0], $0x4000  }
0x1f: {  	p1 =	por !p0, p1;
	[dreg:$0xe] =	wrdreg s8;
	[sflag:s0] =	ssyncset.done @!p2 $0x0  }
0x20: {  	s2 =	simm.s32 @!p1 $0x2;
	[sflag:s0] =	ssyncadd.s32 @!p2 $0xFFFFC000;
	s0 =	sadd.s32 $0xFA00, s23  }
0x21: {  	s15 =	sand.u32 $0x40, s24;
	_ =	swait.ge @!p1 [sflag:s2], $0x4000;
	[dreg:$0x3] =	wrdreg s0  }
0x22: {  	s1 =	sadd.s32 $0x15E00, s25;
	s9 =	sor.u32 $0x30, s15;
	s0 =	rddreg [dreg:$0x3]  }
0x23: {  	[dreg:$0xf] =	wrdreg s3;
	[sflag:s2] =	ssyncset.done @!p1 $0x0;
	s0 =	sadd.s32 s26, s0  }
0x24: {  	[dreg:$0x4] =	wrdreg s1;
	[sflag:s2] =	ssyncadd.s32 @!p1 $0xFFFFC000;
	s28 =	sadd.s32 s9, s0  }
0x25: {  	v3 =	vld [tilespmem:s28+$0x0];
	_ =	sdelay $0x7  }
0x26: {  	v0 =	vld.idx.msk [tilespmem:v3+s21+$0x0], $0xffff  }
0x27: {  	v1 =	vld.idx.msk [tilespmem:v3+s5+$0x0], $0xffff  }
0x28: {  	v2 =	vld.idx.msk [tilespmem:v3+s12+$0x0], $0xffff  }
0x29: {  	v4 =	vld.idx.msk [tilespmem:v3+s14+$0x0], $0xffff  }
0x2a: {  	s30 =	simm.s32 $0x0;
	s29 =	rddreg [dreg:$0x4];
	v5 =	vld.idx.msk [tilespmem:v3+s16+$0x0], $0xffff  }
0x2b: {  	s31 =	sand.u32 $0x400, s24;
	v6 =	vld.idx.msk [tilespmem:v3+s18+$0x0], $0xffff;
	[dreg:$0x5] =	wrdreg s30  }
0x2c: {  	s8 =	sadd.s32 s31, s29;
	v7 =	vld.idx.msk [tilespmem:v3+s19+$0x0], $0xffff  }
0x2d: {  	s1 =	sadd.s32 s9, s8;
	v8 =	vld.idx.msk [tilespmem:v3+s20+$0x0], $0xffff  }
0x2e: {  	v9 =	vld.idx.msk [tilespmem:v3+s6+$0x0], $0xffff;
	[tilespmem:s1+$0x0] =	vst v2  }
0x2f: {  	v2 =	vld.idx.msk [tilespmem:v3+s7+$0x0], $0xffff;
	[tilespmem:s1+$0x80] =	vst v4  }
0x30: {  	v4 =	vld.idx.msk [tilespmem:v3+s10+$0x0], $0xffff;
	[tilespmem:s1+$0x100] =	vst v5  }
0x31: {  	v5 =	vld.idx.msk [tilespmem:v3+s11+$0x0], $0xffff;
	[tilespmem:s1+$0x180] =	vst v6  }
0x32: {  	s22 =	simm.s32 $0x32C8;
	v6 =	vld.idx.msk [tilespmem:v3+s17+$0x0], $0xffff;
	[tilespmem:s1+$0x200] =	vst v7  }
0x33: {  	s23 =	simm.s32 $0x36B0;
	v7 =	vld.idx.msk [tilespmem:v3+s22+$0x0], $0xffff;
	[tilespmem:s1+$0x280] =	vst v8  }
0x34: {  	s24 =	simm.s32 $0x3A98;
	s7 =	sadd.s32 $0x800, s8;
	v8 =	vld.idx.msk [tilespmem:v3+s23+$0x0], $0xffff;
	[tilespmem:s1+$0x300] =	vst v0  }
0x35: {  	s5 =	simm.s32 $0x3E80;
	s3 =	sadd.s32 s9, s7;
	v0 =	vld.idx.msk [tilespmem:v3+s24+$0x0], $0xffff;
	[tilespmem:s1+$0x380] =	vst v1  }
0x36: {  	s26 =	simm.s32 $0x4268;
	v1 =	vld.idx.msk [tilespmem:v3+s5+$0x0], $0xffff;
	[tilespmem:s3+$0x0] =	vst v9  }
0x37: {  	s6 =	simm.s32 $0x4650;
	v9 =	vld.idx.msk [tilespmem:v3+s26+$0x0], $0xffff;
	[tilespmem:s3+$0x80] =	vst v2  }
0x38: {  	s28 =	simm.s32 $0x4A38;
	v2 =	vld.idx.msk [tilespmem:v3+s6+$0x0], $0xffff;
	[tilespmem:s3+$0x100] =	vst v4  }
0x39: {  	s31 =	simm.s32 $0x4E20;
	v4 =	vld.idx.msk [tilespmem:v3+s28+$0x0], $0xffff;
	[tilespmem:s3+$0x180] =	vst v5  }
0x3a: {  	s10 =	simm.s32 $0x5208;
	v5 =	vld.idx.msk [tilespmem:v3+s31+$0x0], $0xffff;
	[tilespmem:s3+$0x200] =	vst v6  }
0x3b: {  	s11 =	simm.s32 $0x55F0;
	v6 =	vld.idx.msk [tilespmem:v3+s10+$0x0], $0xffff;
	[tilespmem:s3+$0x280] =	vst v7  }
0x3c: {  	s13 =	simm.s32 $0x59D8;
	v7 =	vld.idx.msk [tilespmem:v3+s11+$0x0], $0xffff;
	[tilespmem:s3+$0x300] =	vst v8  }
0x3d: {  	v8 =	vld.idx.msk [tilespmem:v3+s13+$0x0], $0xffff;
	s13 =	sadd.s32 $0x1000, s8  }
0x3e: {  	[tilespmem:s3+$0x380] =	vst v0;
	s17 =	sadd.s32 s9, s13  }
0x3f: {  	s25 =	simm.s32 $0x61A8;
	v0 =	vld.idx.msk [tilespmem:v3+s4+$0x0], $0xffff;
	[tilespmem:s17+$0x0] =	vst v1  }
0x40: {  	s29 =	simm.s32 $0x6590;
	v1 =	vld.idx.msk [tilespmem:v3+s25+$0x0], $0xffff;
	[tilespmem:s17+$0x80] =	vst v9  }
0x41: {  	s30 =	simm.s32 $0x6978;
	v9 =	vld.idx.msk [tilespmem:v3+s29+$0x0], $0xffff;
	[tilespmem:s17+$0x100] =	vst v2  }
0x42: {  	s3 =	simm.s32 $0x6D60;
	v2 =	vld.idx.msk [tilespmem:v3+s30+$0x0], $0xffff;
	[tilespmem:s17+$0x180] =	vst v4  }
0x43: {  	s4 =	simm.s32 $0x7148;
	v4 =	vld.idx.msk [tilespmem:v3+s3+$0x0], $0xffff;
	[tilespmem:s17+$0x200] =	vst v5  }
0x44: {  	s5 =	simm.s32 $0x7530;
	v5 =	vld.idx.msk [tilespmem:v3+s4+$0x0], $0xffff;
	[tilespmem:s17+$0x280] =	vst v6  }
0x45: {  	s6 =	simm.s32 $0x7918;
	s30 =	sadd.s32 $0x1800, s8;
	v6 =	vld.idx.msk [tilespmem:v3+s5+$0x0], $0xffff;
	[tilespmem:s17+$0x300] =	vst v7  }
0x46: {  	s11 =	simm.s32 $0x7D00;
	s10 =	sadd.s32 s9, s30;
	v7 =	vld.idx.msk [tilespmem:v3+s6+$0x0], $0xffff;
	[tilespmem:s17+$0x380] =	vst v8  }
0x47: {  	s17 =	simm.s32 $0x80E8;
	v8 =	vld.idx.msk [tilespmem:v3+s11+$0x0], $0xffff;
	[tilespmem:s10+$0x0] =	vst v0  }
0x48: {  	s25 =	simm.s32 $0x84D0;
	v10 =	vld.idx.msk [tilespmem:v3+s17+$0x0], $0xffff;
	[tilespmem:s10+$0x80] =	vst v1  }
0x49: {  	s29 =	simm.s32 $0x88B8;
	v1 =	vld.idx.msk [tilespmem:v3+s25+$0x0], $0xffff;
	[tilespmem:s10+$0x100] =	vst v9  }
0x4a: {  	s3 =	simm.s32 $0x8CA0;
	v9 =	vld.idx.msk [tilespmem:v3+s29+$0x0], $0xffff;
	[tilespmem:s10+$0x180] =	vst v2  }
0x4b: {  	s4 =	simm.s32 $0x9088;
	v2 =	vld.idx.msk [tilespmem:v3+s3+$0x0], $0xffff;
	[tilespmem:s10+$0x200] =	vst v4  }
0x4c: {  	s3 =	sadd.s32 s15, s0;
	v4 =	vld.idx.msk [tilespmem:v3+s4+$0x0], $0xffff  }
0x4d: {  	s5 =	simm.s32 $0x9470;
	[tilespmem:s10+$0x280] =	vst v5;
	v0 =	vld [tilespmem:s3+$0x0]  }
0x4e: {  	s6 =	simm.s32 $0x9858;
	s29 =	sadd.s32 $0x2000, s8;
	v5 =	vld.idx.msk [tilespmem:v3+s5+$0x0], $0xffff;
	[tilespmem:s10+$0x300] =	vst v6  }
0x4f: {  	s1 =	sadd.s32 s9, s29;
	v6 =	vld.idx.msk [tilespmem:v3+s6+$0x0], $0xffff;
	[tilespmem:s10+$0x380] =	vst v7;
	s10 =	simm.s32 $0x9C40  }
0x50: {  	s11 =	simm.s32 $0xA028;
	v7 =	vld.idx.msk [tilespmem:v3+s10+$0x0], $0xffff;
	[tilespmem:s1+$0x0] =	vst v8  }
0x51: {  	s17 =	simm.s32 $0xA410;
	v8 =	vld.idx.msk [tilespmem:v3+s11+$0x0], $0xffff;
	[tilespmem:s1+$0x80] =	vst v10  }
0x52: {  	s25 =	simm.s32 $0xA7F8;
	v10 =	vld.idx.msk [tilespmem:v3+s17+$0x0], $0xffff;
	[tilespmem:s1+$0x100] =	vst v1  }
0x53: {  	s3 =	simm.s32 $0xABE0;
	v1 =	vld.idx.msk [tilespmem:v3+s25+$0x0], $0xffff;
	[tilespmem:s1+$0x180] =	vst v9  }
0x54: {  	s5 =	simm.s32 $0xAFC8;
	v9 =	vld.idx.msk [tilespmem:v3+s3+$0x0], $0xffff;
	[tilespmem:s1+$0x200] =	vst v2  }
0x55: {  	v2 =	vld.idx.msk [tilespmem:v3+s5+$0x0], $0xffff  }
0x56: {  	v11 =	vld.idx.msk [tilespmem:v0+s19+$0x0], $0xffff  }
0x57: {  	v13 =	vld.idx.msk [tilespmem:v0+s20+$0x0], $0xffff  }
0x58: {  	s6 =	simm.s32 $0xB3B0;
	[tilespmem:s1+$0x280] =	vst v4;
	v14 =	vld.idx.msk [tilespmem:v0+s12+$0x0], $0xffff  }
0x59: {  	s10 =	simm.s32 $0xB798;
	s11 =	sadd.s32 $0x2800, s8;
	v12 =	vld.idx.msk [tilespmem:v3+s6+$0x0], $0xffff;
	[tilespmem:s1+$0x300] =	vst v5  }
0x5a: {  	v5 =	vld.idx.msk [tilespmem:v3+s10+$0x0], $0xffff;
	[dreg:$0x10] =	wrdreg s11  }
0x5b: {  	v15 =	vld.idx.msk [tilespmem:v0+s14+$0x0], $0xffff  }
0x5c: {  	v16 =	vld.idx.msk [tilespmem:v0+s16+$0x0], $0xffff  }
0x5d: {  	v17 =	vld.idx.msk [tilespmem:v0+s18+$0x0], $0xffff  }
0x5e: {  	s4 =	simm.s32 $0x1B58;
	v18 =	vld.idx.msk [tilespmem:v0+s21+$0x0], $0xffff  }
0x5f: {  	s17 =	simm.s32 $0xBB80;
	s3 =	sadd.s32 s9, s11;
	[tilespmem:s1+$0x380] =	vst v6;
	v20 =	vld.idx.msk [tilespmem:v0+s4+$0x0], $0xffff  }
0x60: {  	s25 =	simm.s32 $0xBF68;
	v6 =	vld.idx.msk [tilespmem:v3+s17+$0x0], $0xffff;
	[tilespmem:s3+$0x0] =	vst v7  }
0x61: {  	s2 =	simm.s32 $0xC350;
	v7 =	vld.idx.msk [tilespmem:v3+s25+$0x0], $0xffff;
	[tilespmem:s3+$0x80] =	vst v8  }
0x62: {  	s5 =	simm.s32 $0xC738;
	v8 =	vld.idx.msk [tilespmem:v3+s2+$0x0], $0xffff;
	[tilespmem:s3+$0x100] =	vst v10  }
0x63: {  	s2 =	simm.s32 $0x1F40;
	v10 =	vld.idx.msk [tilespmem:v3+s5+$0x0], $0xffff  }
0x64: {  	s6 =	simm.s32 $0xCB20;
	[tilespmem:s3+$0x180] =	vst v1;
	v4 =	vld.idx.msk [tilespmem:v0+s2+$0x0], $0xffff  }
0x65: {  	s10 =	simm.s32 $0xCF08;
	v19 =	vld.idx.msk [tilespmem:v3+s6+$0x0], $0xffff;
	[tilespmem:s3+$0x200] =	vst v9  }
0x66: {  	s11 =	simm.s32 $0xD2F0;
	s17 =	sor.u32 $0x10, s15;
	v21 =	vld.idx.msk [tilespmem:v3+s10+$0x0], $0xffff;
	[tilespmem:s3+$0x280] =	vst v2  }
0x67: {  	s1 =	sor.u32 $0x20, s15;
	s10 =	sadd.s32 s17, s0;
	v22 =	vld.idx.msk [tilespmem:v3+s11+$0x0], $0xffff  }
0x68: {  	s0 =	sadd.s32 s1, s0;
	v1 =	vld [tilespmem:s10+$0x0]  }
0x69: {  	[tilespmem:s3+$0x300] =	vst v12;
	s11 =	simm.s32 $0xD6D8;
	v2 =	vld [tilespmem:s0+$0x0]  }
0x6a: {  	s10 =	sadd.s32 s15, s8;
	s0 =	sadd.s32 $0x3000, s8;
	v12 =	vld.idx.msk [tilespmem:v3+s11+$0x0], $0xffff;
	[tilespmem:s3+$0x380] =	vst v5;
	s3 =	simm.s32 $0xDAC0  }
0x6b: {  	s4 =	simm.s32 $0x2328;
	[tilespmem:s10+$0x0] =	vst v14;
	s11 =	sadd.s32 s9, s0;
	v14 =	vld.idx.msk [tilespmem:v3+s3+$0x0], $0xffff  }
0x6c: {  	v5 =	vld.idx.msk [tilespmem:v0+s4+$0x0], $0xffff;
	[tilespmem:s11+$0x0] =	vst v6;
	s3 =	simm.s32 $0xDEA8  }
0x6d: {  	s6 =	simm.s32 $0x2710;
	[tilespmem:s10+$0x80] =	vst v15;
	v15 =	vld.idx.msk [tilespmem:v3+s3+$0x0], $0xffff  }
0x6e: {  	v6 =	vld.idx.msk [tilespmem:v0+s6+$0x0], $0xffff;
	[tilespmem:s11+$0x80] =	vst v7;
	s3 =	simm.s32 $0xE290  }
0x6f: {  	s25 =	simm.s32 $0x2AF8;
	[tilespmem:s10+$0x100] =	vst v16;
	v16 =	vld.idx.msk [tilespmem:v3+s3+$0x0], $0xffff  }
0x70: {  	v7 =	vld.idx.msk [tilespmem:v0+s25+$0x0], $0xffff;
	[tilespmem:s11+$0x100] =	vst v8;
	s3 =	simm.s32 $0xE678  }
0x71: {  	s5 =	simm.s32 $0x2EE0;
	[tilespmem:s10+$0x180] =	vst v17;
	v17 =	vld.idx.msk [tilespmem:v3+s3+$0x0], $0xffff  }
0x72: {  	v8 =	vld.idx.msk [tilespmem:v0+s5+$0x0], $0xffff;
	[tilespmem:s11+$0x180] =	vst v10;
	s5 =	simm.s32 $0xEA60  }
0x73: {  	[tilespmem:s10+$0x200] =	vst v11;
	v23 =	vld.idx.msk [tilespmem:v3+s5+$0x0], $0xffff  }
0x74: {  	v9 =	vld.idx.msk [tilespmem:v0+s22+$0x0], $0xffff;
	[tilespmem:s11+$0x200] =	vst v19;
	s5 =	simm.s32 $0xEE48  }
0x75: {  	[tilespmem:s10+$0x280] =	vst v13;
	v13 =	vld.idx.msk [tilespmem:v3+s5+$0x0], $0xffff  }
0x76: {  	v10 =	vld.idx.msk [tilespmem:v0+s23+$0x0], $0xffff;
	[tilespmem:s11+$0x280] =	vst v21;
	s5 =	simm.s32 $0xF230  }
0x77: {  	[tilespmem:s10+$0x300] =	vst v18;
	v18 =	vld.idx.msk [tilespmem:v3+s5+$0x0], $0xffff  }
0x78: {  	v11 =	vld.idx.msk [tilespmem:v0+s24+$0x0], $0xffff  }
0x79: {  	v19 =	vld.idx.msk [tilespmem:v1+s12+$0x0], $0xffff  }
0x7a: {  	v21 =	vld.idx.msk [tilespmem:v2+s12+$0x0], $0xffff  }
0x7b: {  	[tilespmem:s11+$0x300] =	vst v22;
	v22 =	vld.idx.msk [tilespmem:v1+s14+$0x0], $0xffff  }
0x7c: {  	v24 =	vld.idx.msk [tilespmem:v2+s14+$0x0], $0xffff  }
0x7d: {  	v25 =	vld.idx.msk [tilespmem:v1+s16+$0x0], $0xffff  }
0x7e: {  	v26 =	vld.idx.msk [tilespmem:v2+s16+$0x0], $0xffff  }
0x7f: {  	v27 =	vld.idx.msk [tilespmem:v1+s18+$0x0], $0xffff  }
0x80: {  	s3 =	sadd.s32 $0x3800, s8;
	s5 =	simm.s32 $0xF618;
	[tilespmem:s10+$0x380] =	vst v20;
	v20 =	vld.idx.msk [tilespmem:v2+s18+$0x0], $0xffff  }
0x81: {  	s9 =	sadd.s32 s9, s3;
	v3 =	vld.idx.msk [tilespmem:v3+s5+$0x0], $0xffff;
	[tilespmem:s11+$0x380] =	vst v12  }
0x82: {  	v12 =	vld.idx.msk [tilespmem:v1+s19+$0x0], $0xffff;
	[tilespmem:s9+$0x180] =	vst v17  }
0x83: {  	[tilespmem:s9+$0x100] =	vst v16;
	v16 =	vld.idx.msk [tilespmem:v1+s2+$0x0], $0xffff  }
0x84: {  	[tilespmem:s9+$0x0] =	vst v14;
	v14 =	vld.idx.msk [tilespmem:v2+s21+$0x0], $0xffff  }
0x85: {  	[tilespmem:s9+$0x200] =	vst v23;
	v23 =	vld.idx.msk [tilespmem:v1+s21+$0x0], $0xffff  }
0x86: {  	[tilespmem:s9+$0x280] =	vst v13;
	v13 =	vld.idx.msk [tilespmem:v2+s20+$0x0], $0xffff  }
0x87: {  	[tilespmem:s9+$0x300] =	vst v18;
	v18 =	vld.idx.msk [tilespmem:v1+s20+$0x0], $0xffff  }
0x88: {  	s20 =	simm.s32 $0x1B58;
	[tilespmem:s9+$0x380] =	vst v3;
	v3 =	vld.idx.msk [tilespmem:v2+s19+$0x0], $0xffff  }
0x89: {  	[tilespmem:s9+$0x80] =	vst v15;
	s21 =	sadd.s32 s17, s8;
	v17 =	vld.idx.msk [tilespmem:v1+s20+$0x0], $0xffff  }
0x8a: {  	s8 =	sadd.s32 s1, s8;
	v15 =	vld.idx.msk [tilespmem:v2+s20+$0x0], $0xffff;
	[tilespmem:s21+$0x0] =	vst v19  }
0x8b: {  	v19 =	vld.idx.msk [tilespmem:v2+s2+$0x0], $0xffff;
	[tilespmem:s8+$0x0] =	vst v21  }
0x8c: {  	v21 =	vld.idx.msk [tilespmem:v1+s4+$0x0], $0xffff;
	[tilespmem:s21+$0x80] =	vst v22  }
0x8d: {  	v22 =	vld.idx.msk [tilespmem:v2+s4+$0x0], $0xffff;
	[tilespmem:s8+$0x80] =	vst v24  }
0x8e: {  	v24 =	vld.idx.msk [tilespmem:v1+s6+$0x0], $0xffff;
	[tilespmem:s21+$0x100] =	vst v25  }
0x8f: {  	v25 =	vld.idx.msk [tilespmem:v2+s6+$0x0], $0xffff;
	[tilespmem:s8+$0x100] =	vst v26  }
0x90: {  	v26 =	vld.idx.msk [tilespmem:v1+s25+$0x0], $0xffff;
	[tilespmem:s21+$0x180] =	vst v27  }
0x91: {  	s5 =	simm.s32 $0x2EE0;
	v27 =	vld.idx.msk [tilespmem:v2+s25+$0x0], $0xffff;
	[tilespmem:s8+$0x180] =	vst v20  }
0x92: {  	v20 =	vld.idx.msk [tilespmem:v1+s5+$0x0], $0xffff;
	[tilespmem:s21+$0x200] =	vst v12  }
0x93: {  	v12 =	vld.idx.msk [tilespmem:v2+s5+$0x0], $0xffff;
	[tilespmem:s8+$0x200] =	vst v3  }
0x94: {  	v3 =	vld.idx.msk [tilespmem:v1+s22+$0x0], $0xffff;
	[tilespmem:s21+$0x280] =	vst v18  }
0x95: {  	v18 =	vld.idx.msk [tilespmem:v2+s22+$0x0], $0xffff;
	[tilespmem:s8+$0x280] =	vst v13  }
0x96: {  	v13 =	vld.idx.msk [tilespmem:v1+s23+$0x0], $0xffff;
	[tilespmem:s21+$0x300] =	vst v23  }
0x97: {  	v23 =	vld.idx.msk [tilespmem:v2+s23+$0x0], $0xffff;
	[tilespmem:s8+$0x300] =	vst v14  }
0x98: {  	v14 =	vld.idx.msk [tilespmem:v1+s24+$0x0], $0xffff;
	[tilespmem:s21+$0x380] =	vst v17  }
0x99: {  	s12 =	simm.s32 $0x3E80;
	s6 =	sadd.s32 s17, s7;
	v17 =	vld.idx.msk [tilespmem:v2+s24+$0x0], $0xffff;
	[tilespmem:s8+$0x380] =	vst v15  }
0x9a: {  	s10 =	sadd.s32 s1, s7;
	v15 =	vld.idx.msk [tilespmem:v1+s12+$0x0], $0xffff;
	[tilespmem:s6+$0x0] =	vst v16  }
0x9b: {  	v16 =	vld.idx.msk [tilespmem:v2+s12+$0x0], $0xffff;
	[tilespmem:s10+$0x0] =	vst v19  }
0x9c: {  	v19 =	vld.idx.msk [tilespmem:v1+s26+$0x0], $0xffff;
	[tilespmem:s6+$0x80] =	vst v21  }
0x9d: {  	s11 =	simm.s32 $0x4650;
	v21 =	vld.idx.msk [tilespmem:v2+s26+$0x0], $0xffff;
	[tilespmem:s10+$0x80] =	vst v22  }
0x9e: {  	v22 =	vld.idx.msk [tilespmem:v1+s11+$0x0], $0xffff;
	[tilespmem:s6+$0x100] =	vst v24  }
0x9f: {  	v24 =	vld.idx.msk [tilespmem:v2+s11+$0x0], $0xffff;
	[tilespmem:s10+$0x100] =	vst v25  }
0xa0: {  	v25 =	vld.idx.msk [tilespmem:v1+s28+$0x0], $0xffff;
	[tilespmem:s6+$0x180] =	vst v26  }
0xa1: {  	v26 =	vld.idx.msk [tilespmem:v2+s28+$0x0], $0xffff;
	[tilespmem:s10+$0x180] =	vst v27  }
0xa2: {  	v27 =	vld.idx.msk [tilespmem:v1+s31+$0x0], $0xffff;
	[tilespmem:s6+$0x200] =	vst v20  }
0xa3: {  	s16 =	simm.s32 $0x5208;
	v20 =	vld.idx.msk [tilespmem:v2+s31+$0x0], $0xffff;
	[tilespmem:s10+$0x200] =	vst v12  }
0xa4: {  	v12 =	vld.idx.msk [tilespmem:v1+s16+$0x0], $0xffff;
	[tilespmem:s6+$0x280] =	vst v3  }
0xa5: {  	s19 =	simm.s32 $0x55F0;
	v3 =	vld.idx.msk [tilespmem:v2+s16+$0x0], $0xffff;
	[tilespmem:s10+$0x280] =	vst v18  }
0xa6: {  	v18 =	vld.idx.msk [tilespmem:v1+s19+$0x0], $0xffff;
	[tilespmem:s6+$0x300] =	vst v13  }
0xa7: {  	s21 =	simm.s32 $0x59D8;
	v13 =	vld.idx.msk [tilespmem:v2+s19+$0x0], $0xffff;
	[tilespmem:s10+$0x300] =	vst v23  }
0xa8: {  	v23 =	vld.idx.msk [tilespmem:v1+s21+$0x0], $0xffff;
	[tilespmem:s6+$0x380] =	vst v14  }
0xa9: {  	s7 =	sadd.s32 s15, s7;
	v14 =	vld.idx.msk [tilespmem:v2+s21+$0x0], $0xffff;
	[tilespmem:s10+$0x380] =	vst v17  }
0xaa: {  	s23 =	sadd.s32 s17, s13;
	s24 =	simm.s32 $0x5DC0;
	v17 =	vld.idx.msk [tilespmem:v0+s12+$0x0], $0xffff;
	[tilespmem:s7+$0x0] =	vst v4  }
0xab: {  	v4 =	vld.idx.msk [tilespmem:v1+s24+$0x0], $0xffff;
	[tilespmem:s23+$0x0] =	vst v15  }
0xac: {  	s25 =	simm.s32 $0x61A8;
	v15 =	vld.idx.msk [tilespmem:v0+s26+$0x0], $0xffff;
	[tilespmem:s7+$0x80] =	vst v5  }
0xad: {  	s14 =	simm.s32 $0x4650;
	v5 =	vld.idx.msk [tilespmem:v1+s25+$0x0], $0xffff;
	[tilespmem:s23+$0x80] =	vst v19  }
0xae: {  	s26 =	simm.s32 $0x6590;
	v19 =	vld.idx.msk [tilespmem:v0+s14+$0x0], $0xffff;
	[tilespmem:s7+$0x100] =	vst v6  }
0xaf: {  	v6 =	vld.idx.msk [tilespmem:v1+s26+$0x0], $0xffff;
	[tilespmem:s23+$0x100] =	vst v22  }
0xb0: {  	v22 =	vld.idx.msk [tilespmem:v0+s28+$0x0], $0xffff;
	[tilespmem:s7+$0x180] =	vst v7;
	s28 =	simm.s32 $0x6978  }
0xb1: {  	v7 =	vld.idx.msk [tilespmem:v1+s28+$0x0], $0xffff;
	[tilespmem:s23+$0x180] =	vst v25  }
0xb2: {  	v25 =	vld.idx.msk [tilespmem:v0+s31+$0x0], $0xffff;
	[tilespmem:s7+$0x200] =	vst v8;
	s31 =	simm.s32 $0x6D60  }
0xb3: {  	s18 =	simm.s32 $0x5208;
	v8 =	vld.idx.msk [tilespmem:v1+s31+$0x0], $0xffff;
	[tilespmem:s23+$0x200] =	vst v27  }
0xb4: {  	s9 =	simm.s32 $0x7148;
	v27 =	vld.idx.msk [tilespmem:v0+s18+$0x0], $0xffff;
	[tilespmem:s7+$0x280] =	vst v9  }
0xb5: {  	s20 =	simm.s32 $0x55F0;
	v9 =	vld.idx.msk [tilespmem:v1+s9+$0x0], $0xffff;
	[tilespmem:s23+$0x280] =	vst v12  }
0xb6: {  	s10 =	simm.s32 $0x7530;
	v12 =	vld.idx.msk [tilespmem:v0+s20+$0x0], $0xffff;
	[tilespmem:s7+$0x300] =	vst v10  }
0xb7: {  	s22 =	simm.s32 $0x59D8;
	v10 =	vld.idx.msk [tilespmem:v1+s10+$0x0], $0xffff;
	[tilespmem:s23+$0x300] =	vst v18  }
0xb8: {  	s11 =	simm.s32 $0x7918;
	v18 =	vld.idx.msk [tilespmem:v0+s22+$0x0], $0xffff;
	[tilespmem:s7+$0x380] =	vst v11  }
0xb9: {  	s12 =	sadd.s32 s1, s13;
	s14 =	simm.s32 $0x5DC0;
	v11 =	vld.idx.msk [tilespmem:v1+s11+$0x0], $0xffff;
	[tilespmem:s23+$0x380] =	vst v23  }
0xba: {  	s16 =	sadd.s32 s15, s13;
	v23 =	vld.idx.msk [tilespmem:v2+s14+$0x0], $0xffff;
	[tilespmem:s12+$0x0] =	vst v16  }
0xbb: {  	s18 =	simm.s32 $0x61A8;
	v16 =	vld.idx.msk [tilespmem:v0+s14+$0x0], $0xffff;
	[tilespmem:s16+$0x0] =	vst v17  }
0xbc: {  	v17 =	vld.idx.msk [tilespmem:v2+s18+$0x0], $0xffff;
	[tilespmem:s12+$0x80] =	vst v21  }
0xbd: {  	s19 =	simm.s32 $0x6590;
	v21 =	vld.idx.msk [tilespmem:v0+s18+$0x0], $0xffff;
	[tilespmem:s16+$0x80] =	vst v15  }
0xbe: {  	v15 =	vld.idx.msk [tilespmem:v2+s19+$0x0], $0xffff;
	[tilespmem:s12+$0x100] =	vst v24  }
0xbf: {  	s20 =	simm.s32 $0x6978;
	v24 =	vld.idx.msk [tilespmem:v0+s19+$0x0], $0xffff;
	[tilespmem:s16+$0x100] =	vst v19  }
0xc0: {  	v19 =	vld.idx.msk [tilespmem:v2+s20+$0x0], $0xffff;
	[tilespmem:s12+$0x180] =	vst v26  }
0xc1: {  	s21 =	simm.s32 $0x6D60;
	v26 =	vld.idx.msk [tilespmem:v0+s20+$0x0], $0xffff;
	[tilespmem:s16+$0x180] =	vst v22  }
0xc2: {  	v22 =	vld.idx.msk [tilespmem:v2+s21+$0x0], $0xffff;
	[tilespmem:s12+$0x200] =	vst v20  }
0xc3: {  	s22 =	simm.s32 $0x7148;
	v20 =	vld.idx.msk [tilespmem:v0+s21+$0x0], $0xffff;
	[tilespmem:s16+$0x200] =	vst v25  }
0xc4: {  	v25 =	vld.idx.msk [tilespmem:v2+s22+$0x0], $0xffff;
	[tilespmem:s12+$0x280] =	vst v3  }
0xc5: {  	s23 =	simm.s32 $0x7530;
	v3 =	vld.idx.msk [tilespmem:v0+s22+$0x0], $0xffff;
	[tilespmem:s16+$0x280] =	vst v27  }
0xc6: {  	v27 =	vld.idx.msk [tilespmem:v2+s23+$0x0], $0xffff;
	[tilespmem:s12+$0x300] =	vst v13  }
0xc7: {  	s24 =	simm.s32 $0x7918;
	v13 =	vld.idx.msk [tilespmem:v0+s23+$0x0], $0xffff;
	[tilespmem:s16+$0x300] =	vst v12  }
0xc8: {  	v12 =	vld.idx.msk [tilespmem:v2+s24+$0x0], $0xffff;
	[tilespmem:s12+$0x380] =	vst v14  }
0xc9: {  	s25 =	sadd.s32 s17, s30;
	s26 =	simm.s32 $0x7D00;
	v14 =	vld.idx.msk [tilespmem:v0+s24+$0x0], $0xffff;
	[tilespmem:s16+$0x380] =	vst v18  }
0xca: {  	s28 =	sadd.s32 s1, s30;
	v18 =	vld.idx.msk [tilespmem:v1+s26+$0x0], $0xffff;
	[tilespmem:s25+$0x0] =	vst v4  }
0xcb: {  	s5 =	simm.s32 $0x80E8;
	v4 =	vld.idx.msk [tilespmem:v2+s26+$0x0], $0xffff;
	[tilespmem:s28+$0x0] =	vst v23  }
0xcc: {  	v23 =	vld.idx.msk [tilespmem:v1+s5+$0x0], $0xffff;
	[tilespmem:s25+$0x80] =	vst v5  }
0xcd: {  	s8 =	simm.s32 $0x84D0;
	v5 =	vld.idx.msk [tilespmem:v2+s5+$0x0], $0xffff;
	[tilespmem:s28+$0x80] =	vst v17  }
0xce: {  	v17 =	vld.idx.msk [tilespmem:v1+s8+$0x0], $0xffff;
	[tilespmem:s25+$0x100] =	vst v6  }
0xcf: {  	s10 =	simm.s32 $0x88B8;
	v6 =	vld.idx.msk [tilespmem:v2+s8+$0x0], $0xffff;
	[tilespmem:s28+$0x100] =	vst v15  }
0xd0: {  	v15 =	vld.idx.msk [tilespmem:v1+s10+$0x0], $0xffff;
	[tilespmem:s25+$0x180] =	vst v7  }
0xd1: {  	s16 =	simm.s32 $0x8CA0;
	v7 =	vld.idx.msk [tilespmem:v2+s10+$0x0], $0xffff;
	[tilespmem:s28+$0x180] =	vst v19  }
0xd2: {  	v19 =	vld.idx.msk [tilespmem:v1+s16+$0x0], $0xffff;
	[tilespmem:s25+$0x200] =	vst v8  }
0xd3: {  	s19 =	simm.s32 $0x9088;
	v8 =	vld.idx.msk [tilespmem:v2+s16+$0x0], $0xffff;
	[tilespmem:s28+$0x200] =	vst v22  }
0xd4: {  	v22 =	vld.idx.msk [tilespmem:v1+s19+$0x0], $0xffff;
	[tilespmem:s25+$0x280] =	vst v9  }
0xd5: {  	s21 =	simm.s32 $0x9470;
	v9 =	vld.idx.msk [tilespmem:v2+s19+$0x0], $0xffff;
	[tilespmem:s28+$0x280] =	vst v25  }
0xd6: {  	v25 =	vld.idx.msk [tilespmem:v1+s21+$0x0], $0xffff;
	[tilespmem:s25+$0x300] =	vst v10  }
0xd7: {  	s23 =	simm.s32 $0x9858;
	v10 =	vld.idx.msk [tilespmem:v2+s21+$0x0], $0xffff;
	[tilespmem:s28+$0x300] =	vst v27  }
0xd8: {  	v27 =	vld.idx.msk [tilespmem:v1+s23+$0x0], $0xffff;
	[tilespmem:s25+$0x380] =	vst v11  }
0xd9: {  	s31 =	simm.s32 $0x7D00;
	s25 =	sadd.s32 s15, s30;
	v11 =	vld.idx.msk [tilespmem:v2+s23+$0x0], $0xffff;
	[tilespmem:s28+$0x380] =	vst v12  }
0xda: {  	s26 =	sadd.s32 s17, s29;
	v12 =	vld.idx.msk [tilespmem:v0+s31+$0x0], $0xffff;
	[tilespmem:s25+$0x0] =	vst v16;
	s28 =	simm.s32 $0x9C40  }
0xdb: {  	s6 =	simm.s32 $0x80E8;
	v16 =	vld.idx.msk [tilespmem:v1+s28+$0x0], $0xffff;
	[tilespmem:s26+$0x0] =	vst v18  }
0xdc: {  	s30 =	simm.s32 $0xA028;
	v18 =	vld.idx.msk [tilespmem:v0+s6+$0x0], $0xffff;
	[tilespmem:s25+$0x80] =	vst v21  }
0xdd: {  	s9 =	simm.s32 $0x84D0;
	v21 =	vld.idx.msk [tilespmem:v1+s30+$0x0], $0xffff;
	[tilespmem:s26+$0x80] =	vst v23  }
0xde: {  	s31 =	simm.s32 $0xA410;
	v23 =	vld.idx.msk [tilespmem:v0+s9+$0x0], $0xffff;
	[tilespmem:s25+$0x100] =	vst v24  }
0xdf: {  	s13 =	simm.s32 $0x88B8;
	v24 =	vld.idx.msk [tilespmem:v1+s31+$0x0], $0xffff;
	[tilespmem:s26+$0x100] =	vst v17  }
0xe0: {  	s10 =	simm.s32 $0xA7F8;
	v17 =	vld.idx.msk [tilespmem:v0+s13+$0x0], $0xffff;
	[tilespmem:s25+$0x180] =	vst v26  }
0xe1: {  	s18 =	simm.s32 $0x8CA0;
	v26 =	vld.idx.msk [tilespmem:v1+s10+$0x0], $0xffff;
	[tilespmem:s26+$0x180] =	vst v15  }
0xe2: {  	s11 =	simm.s32 $0xABE0;
	v15 =	vld.idx.msk [tilespmem:v0+s18+$0x0], $0xffff;
	[tilespmem:s25+$0x200] =	vst v20  }
0xe3: {  	s20 =	simm.s32 $0x9088;
	v20 =	vld.idx.msk [tilespmem:v1+s11+$0x0], $0xffff;
	[tilespmem:s26+$0x200] =	vst v19  }
0xe4: {  	s12 =	simm.s32 $0xAFC8;
	v19 =	vld.idx.msk [tilespmem:v0+s20+$0x0], $0xffff;
	[tilespmem:s25+$0x280] =	vst v3  }
0xe5: {  	s22 =	simm.s32 $0x9470;
	v3 =	vld.idx.msk [tilespmem:v1+s12+$0x0], $0xffff;
	[tilespmem:s26+$0x280] =	vst v22  }
0xe6: {  	s13 =	simm.s32 $0xB3B0;
	v22 =	vld.idx.msk [tilespmem:v0+s22+$0x0], $0xffff;
	[tilespmem:s25+$0x300] =	vst v13  }
0xe7: {  	s24 =	simm.s32 $0x9858;
	v13 =	vld.idx.msk [tilespmem:v1+s13+$0x0], $0xffff;
	[tilespmem:s26+$0x300] =	vst v25  }
0xe8: {  	s16 =	sadd.s32 s1, s29;
	s18 =	simm.s32 $0x9C40;
	v25 =	vld.idx.msk [tilespmem:v0+s24+$0x0], $0xffff;
	[tilespmem:s25+$0x380] =	vst v14  }
0xe9: {  	s14 =	simm.s32 $0xB798;
	v14 =	vld.idx.msk [tilespmem:v2+s18+$0x0], $0xffff;
	[tilespmem:s16+$0x0] =	vst v4  }
0xea: {  	s19 =	sadd.s32 s15, s29;
	v28 =	vld.idx.msk [tilespmem:v1+s14+$0x0], $0xffff;
	[tilespmem:s26+$0x380] =	vst v27  }
0xeb: {  	s20 =	simm.s32 $0xA028;
	v4 =	vld.idx.msk [tilespmem:v0+s18+$0x0], $0xffff;
	[tilespmem:s19+$0x0] =	vst v12  }
0xec: {  	v12 =	vld.idx.msk [tilespmem:v2+s20+$0x0], $0xffff;
	[tilespmem:s16+$0x80] =	vst v5  }
0xed: {  	s21 =	simm.s32 $0xA410;
	v5 =	vld.idx.msk [tilespmem:v0+s20+$0x0], $0xffff;
	[tilespmem:s19+$0x80] =	vst v18  }
0xee: {  	v18 =	vld.idx.msk [tilespmem:v2+s21+$0x0], $0xffff;
	[tilespmem:s16+$0x100] =	vst v6  }
0xef: {  	s22 =	simm.s32 $0xA7F8;
	v6 =	vld.idx.msk [tilespmem:v0+s21+$0x0], $0xffff;
	[tilespmem:s19+$0x100] =	vst v23  }
0xf0: {  	v23 =	vld.idx.msk [tilespmem:v2+s22+$0x0], $0xffff;
	[tilespmem:s16+$0x180] =	vst v7  }
0xf1: {  	s23 =	simm.s32 $0xABE0;
	v7 =	vld.idx.msk [tilespmem:v0+s22+$0x0], $0xffff;
	[tilespmem:s19+$0x180] =	vst v17  }
0xf2: {  	v17 =	vld.idx.msk [tilespmem:v2+s23+$0x0], $0xffff;
	[tilespmem:s16+$0x200] =	vst v8  }
0xf3: {  	s24 =	simm.s32 $0xAFC8;
	v8 =	vld.idx.msk [tilespmem:v0+s23+$0x0], $0xffff;
	[tilespmem:s19+$0x200] =	vst v15  }
0xf4: {  	v27 =	vld.idx.msk [tilespmem:v2+s24+$0x0], $0xffff;
	[tilespmem:s16+$0x280] =	vst v9  }
0xf5: {  	s25 =	simm.s32 $0xB3B0;
	v9 =	vld.idx.msk [tilespmem:v0+s24+$0x0], $0xffff;
	[tilespmem:s19+$0x280] =	vst v19  }
0xf6: {  	v19 =	vld.idx.msk [tilespmem:v2+s25+$0x0], $0xffff;
	[tilespmem:s16+$0x300] =	vst v10  }
0xf7: {  	v10 =	vld.idx.msk [tilespmem:v0+s25+$0x0], $0xffff;
	[tilespmem:s19+$0x300] =	vst v22  }
0xf8: {  	v29 =	vld.idx.msk [tilespmem:v2+s14+$0x0], $0xffff;
	[tilespmem:s16+$0x380] =	vst v11  }
0xf9: {  	s26 =	rddreg [dreg:$0x10]  }
0xfa: {  	s29 =	simm.s32 $0xBB80;
	v30 =	vld.idx.msk [tilespmem:v0+s14+$0x0], $0xffff;
	[tilespmem:s19+$0x380] =	vst v25;
	s28 =	sadd.s32 s17, s26  }
0xfb: {  	v25 =	vld.idx.msk [tilespmem:v1+s29+$0x0], $0xffff;
	s30 =	sadd.s32 s1, s26;
	[tilespmem:s28+$0x0] =	vst v16  }
0xfc: {  	s31 =	simm.s32 $0xBB80;
	v31 =	vld.idx.msk [tilespmem:v2+s29+$0x0], $0xffff;
	s4 =	sadd.s32 s15, s26;
	[tilespmem:s30+$0x0] =	vst v14  }
0xfd: {  	s7 =	simm.s32 $0xBF68;
	v32 =	vld.idx.msk [tilespmem:v0+s31+$0x0], $0xffff;
	[tilespmem:s4+$0x0] =	vst v4  }
0xfe: {  	v33 =	vld.idx.msk [tilespmem:v1+s7+$0x0], $0xffff;
	[tilespmem:s28+$0x80] =	vst v21  }
0xff: {  	s8 =	simm.s32 $0xBF68;
	v21 =	vld.idx.msk [tilespmem:v2+s7+$0x0], $0xffff;
	[tilespmem:s30+$0x80] =	vst v12  }
0x100: {  	s9 =	simm.s32 $0xC350;
	v34 =	vld.idx.msk [tilespmem:v0+s8+$0x0], $0xffff;
	[tilespmem:s4+$0x80] =	vst v5  }
0x101: {  	v35 =	vld.idx.msk [tilespmem:v1+s9+$0x0], $0xffff;
	[tilespmem:s28+$0x100] =	vst v24  }
0x102: {  	s10 =	simm.s32 $0xC350;
	v36 =	vld.idx.msk [tilespmem:v2+s9+$0x0], $0xffff;
	[tilespmem:s30+$0x100] =	vst v18  }
0x103: {  	s11 =	simm.s32 $0xC738;
	v37 =	vld.idx.msk [tilespmem:v0+s10+$0x0], $0xffff;
	[tilespmem:s4+$0x100] =	vst v6  }
0x104: {  	v38 =	vld.idx.msk [tilespmem:v1+s11+$0x0], $0xffff;
	[tilespmem:s28+$0x180] =	vst v26  }
0x105: {  	s12 =	simm.s32 $0xC738;
	v39 =	vld.idx.msk [tilespmem:v2+s11+$0x0], $0xffff;
	[tilespmem:s30+$0x180] =	vst v23  }
0x106: {  	s13 =	simm.s32 $0xCB20;
	v40 =	vld.idx.msk [tilespmem:v0+s12+$0x0], $0xffff;
	[tilespmem:s4+$0x180] =	vst v7  }
0x107: {  	v23 =	vld.idx.msk [tilespmem:v1+s13+$0x0], $0xffff;
	[tilespmem:s28+$0x200] =	vst v20  }
0x108: {  	s14 =	simm.s32 $0xCB20;
	v24 =	vld.idx.msk [tilespmem:v2+s13+$0x0], $0xffff;
	[tilespmem:s30+$0x200] =	vst v17  }
0x109: {  	s16 =	simm.s32 $0xCF08;
	v22 =	vld.idx.msk [tilespmem:v0+s14+$0x0], $0xffff;
	[tilespmem:s4+$0x200] =	vst v8  }
0x10a: {  	v16 =	vld.idx.msk [tilespmem:v1+s16+$0x0], $0xffff;
	[tilespmem:s28+$0x280] =	vst v3  }
0x10b: {  	s18 =	simm.s32 $0xCF08;
	v15 =	vld.idx.msk [tilespmem:v2+s16+$0x0], $0xffff;
	[tilespmem:s30+$0x280] =	vst v27  }
0x10c: {  	s19 =	simm.s32 $0xD2F0;
	v11 =	vld.idx.msk [tilespmem:v0+s18+$0x0], $0xffff;
	[tilespmem:s4+$0x280] =	vst v9  }
0x10d: {  	v12 =	vld.idx.msk [tilespmem:v1+s19+$0x0], $0xffff;
	[tilespmem:s28+$0x300] =	vst v13  }
0x10e: {  	s20 =	simm.s32 $0xD2F0;
	v13 =	vld.idx.msk [tilespmem:v2+s19+$0x0], $0xffff;
	[tilespmem:s30+$0x300] =	vst v19  }
0x10f: {  	s21 =	simm.s32 $0xD6D8;
	v14 =	vld.idx.msk [tilespmem:v0+s20+$0x0], $0xffff;
	[tilespmem:s4+$0x300] =	vst v10  }
0x110: {  	v7 =	vld.idx.msk [tilespmem:v1+s21+$0x0], $0xffff;
	[tilespmem:s28+$0x380] =	vst v28  }
0x111: {  	s22 =	simm.s32 $0xD6D8;
	v17 =	vld.idx.msk [tilespmem:v2+s21+$0x0], $0xffff;
	[tilespmem:s30+$0x380] =	vst v29  }
0x112: {  	s23 =	simm.s32 $0xDAC0;
	s19 =	sadd.s32 s17, s0;
	v3 =	vld.idx.msk [tilespmem:v0+s22+$0x0], $0xffff;
	[tilespmem:s4+$0x380] =	vst v30  }
0x113: {  	s18 =	sadd.s32 s1, s0;
	v8 =	vld.idx.msk [tilespmem:v1+s23+$0x0], $0xffff;
	[tilespmem:s19+$0x0] =	vst v25  }
0x114: {  	s24 =	simm.s32 $0xDAC0;
	s14 =	sadd.s32 s15, s0;
	v18 =	vld.idx.msk [tilespmem:v2+s23+$0x0], $0xffff;
	[tilespmem:s18+$0x0] =	vst v31  }
0x115: {  	s25 =	simm.s32 $0xDEA8;
	v4 =	vld.idx.msk [tilespmem:v0+s24+$0x0], $0xffff;
	[tilespmem:s14+$0x0] =	vst v32  }
0x116: {  	v20 =	vld.idx.msk [tilespmem:v1+s25+$0x0], $0xffff;
	[tilespmem:s19+$0x80] =	vst v33  }
0x117: {  	s26 =	simm.s32 $0xDEA8;
	v19 =	vld.idx.msk [tilespmem:v2+s25+$0x0], $0xffff;
	[tilespmem:s18+$0x80] =	vst v21  }
0x118: {  	s28 =	simm.s32 $0xE290;
	v5 =	vld.idx.msk [tilespmem:v0+s26+$0x0], $0xffff;
	[tilespmem:s14+$0x80] =	vst v34  }
0x119: {  	v10 =	vld.idx.msk [tilespmem:v1+s28+$0x0], $0xffff;
	[tilespmem:s19+$0x100] =	vst v35  }
0x11a: {  	s29 =	simm.s32 $0xE290;
	v9 =	vld.idx.msk [tilespmem:v2+s28+$0x0], $0xffff;
	[tilespmem:s18+$0x100] =	vst v36  }
0x11b: {  	s30 =	simm.s32 $0xE678;
	v6 =	vld.idx.msk [tilespmem:v0+s29+$0x0], $0xffff;
	[tilespmem:s14+$0x100] =	vst v37  }
0x11c: {  	s5 =	simm.s32 $0x0;
	v25 =	vld.idx.msk [tilespmem:v1+s30+$0x0], $0xffff;
	[tilespmem:s19+$0x180] =	vst v38  }
0x11d: {  	s31 =	simm.s32 $0xE678;
	s15 =	sadd.s32 s15, s3;
	s20 =	sadd.s32 s1, s3;
	v26 =	vld.idx.msk [tilespmem:v2+s30+$0x0], $0xffff;
	[tilespmem:s18+$0x180] =	vst v39  }
0x11e: {  	s4 =	simm.s32 $0x0;
	s21 =	sadd.s32 s17, s3;
	s17 =	simm.s32 $0x4650;
	v21 =	vld.idx.msk [tilespmem:v0+s31+$0x0], $0xffff;
	[tilespmem:s14+$0x180] =	vst v40  }
.LBB2_3:
0x11f: {  	s3 =	simm.s32 $0xEA60  }
0x120: {  	s2 =	rddreg [dreg:$0x5];
	v27 =	vld.idx.msk [tilespmem:v1+s3+$0x0], $0xffff  }
0x121: {  	[tilespmem:s19+$0x200] =	vst v23;
	v28 =	vld.idx.msk [tilespmem:v2+s3+$0x0], $0xffff;
	s2 =	sadd.s32 $0x40, s2  }
0x122: {  	s0 =	rddreg [dreg:$0x3];
	s26 =	simm.s32 $0xEE48;
	[tilespmem:s18+$0x200] =	vst v24;
	v23 =	vld.idx.msk [tilespmem:v0+s3+$0x0], $0xffff;
	s1 =	sand.u32 $0x80, s2  }
0x123: {  	[tilespmem:s14+$0x200] =	vst v22;
	s3 =	sand.u32 $0x40, s2;
	v22 =	vld.idx.msk [tilespmem:v1+s26+$0x0], $0xffff;
	s0 =	sadd.s32 s1, s0  }
0x124: {  	[tilespmem:s19+$0x280] =	vst v16;
	v16 =	vld.idx.msk [tilespmem:v2+s26+$0x0], $0xffff;
	s1 =	sadd.s32 s3, s0  }
0x125: {  	s28 =	simm.s32 $0xEE48;
	[tilespmem:s18+$0x280] =	vst v15;
	v15 =	vld [tilespmem:s1+$0x0]  }
0x126: {  	s29 =	simm.s32 $0xF230;
	v24 =	vld.idx.msk [tilespmem:v0+s28+$0x0], $0xffff;
	[tilespmem:s14+$0x280] =	vst v11  }
0x127: {  	v11 =	vld.idx.msk [tilespmem:v1+s29+$0x0], $0xffff;
	[tilespmem:s19+$0x300] =	vst v12  }
0x128: {  	s4 =	sadd.s32 $0x4, s4;
	v12 =	vld.idx.msk [tilespmem:v2+s29+$0x0], $0xffff;
	[tilespmem:s18+$0x300] =	vst v13  }
0x129: {  	s30 =	simm.s32 $0xF618;
	[dreg:$0x6] =	wrdreg s4;
	v29 =	vld.idx.msk [tilespmem:v0+s29+$0x0], $0xffff;
	[tilespmem:s14+$0x300] =	vst v14  }
0x12a: {  	[dreg:$0x5] =	wrdreg s2;
	v1 =	vld.idx.msk [tilespmem:v1+s30+$0x0], $0xffff;
	[tilespmem:s21+$0x280] =	vst v22  }
0x12b: {  	v2 =	vld.idx.msk [tilespmem:v2+s30+$0x0], $0xffff  }
0x12c: {  	s31 =	simm.s32 $0xFA0;
	[tilespmem:s20+$0x280] =	vst v16;
	v22 =	vld.idx.msk [tilespmem:v0+s30+$0x0], $0xffff  }
0x12d: {  	s6 =	simm.s32 $0x1388;
	[tilespmem:s21+$0x200] =	vst v27;
	v27 =	vld.idx.msk [tilespmem:v15+s31+$0x0], $0xffff  }
0x12e: {  	s10 =	simm.s32 $0x0;
	[tilespmem:s20+$0x200] =	vst v28;
	v30 =	vld.idx.msk [tilespmem:v15+s6+$0x0], $0xffff  }
0x12f: {  	s11 =	simm.s32 $0x3E8;
	[tilespmem:s21+$0x300] =	vst v11;
	v11 =	vld.idx.msk [tilespmem:v15+s10+$0x0], $0xffff  }
0x130: {  	s5 =	sadd.s32 $0x200, s5;
	s24 =	simm.s32 $0xBB8;
	v0 =	vmov v15;
	[tilespmem:s20+$0x300] =	vst v12;
	v12 =	vld.idx.msk [tilespmem:v15+s11+$0x0], $0xffff  }
0x131: {  	s26 =	simm.s32 $0x1770;
	[dreg:$0x7] =	wrdreg s5;
	[tilespmem:s20+$0x380] =	vst v2;
	v2 =	vld.idx.msk [tilespmem:v15+s24+$0x0], $0xffff  }
0x132: {  	p1 =	slt.u32 s4, $0xC;
	s28 =	simm.s32 $0x1B58;
	[tilespmem:s21+$0x180] =	vst v25;
	s25 =	rddreg [dreg:$0x7];
	v25 =	vld.idx.msk [tilespmem:v15+s26+$0x0], $0xffff  }
0x133: {  	s12 =	rddreg [dreg:$0x4];
	[tilespmem:s20+$0x180] =	vst v26;
	s5 =	sand.u32 $0x400, s25;
	s10 =	simm.s32 $0x7D0;
	v26 =	vld.idx.msk [tilespmem:v15+s28+$0x0], $0xffff  }
0x134: {  	s8 =	sor.u32 $0x20, s3;
	[tilespmem:s21+$0x380] =	vst v1;
	s2 =	sadd.s32 s5, s12;
	s12 =	simm.s32 $0x1F40;
	v1 =	vld.idx.msk [tilespmem:v15+s10+$0x0], $0xffff  }
0x135: {  	s7 =	sor.u32 $0x10, s3;
	s4 =	sadd.s32 s8, s0;
	[tilespmem:s21+$0x100] =	vst v10;
	v15 =	vld.idx.msk [tilespmem:v0+s12+$0x0], $0xffff;
	s12 =	sor.u32 $0x30, s3  }
0x136: {  	s1 =	sadd.s32 s7, s0;
	[tilespmem:s20+$0x100] =	vst v9;
	s5 =	sadd.s32 s3, s2;
	s0 =	sadd.s32 s12, s0  }
0x137: {  	s30 =	simm.s32 $0x2328;
	v16 =	vld [tilespmem:s0+$0x0];
	[tilespmem:s5+$0x0] =	vst v11  }
0x138: {  	s31 =	simm.s32 $0x2710;
	v14 =	vld.idx.msk [tilespmem:v0+s30+$0x0], $0xffff;
	[tilespmem:s5+$0x80] =	vst v12  }
0x139: {  	v13 =	vld.idx.msk [tilespmem:v0+s31+$0x0], $0xffff;
	[tilespmem:s5+$0x100] =	vst v1  }
0x13a: {  	s25 =	simm.s32 $0x2AF8;
	v1 =	vld [tilespmem:s1+$0x0];
	[tilespmem:s19+$0x380] =	vst v7  }
0x13b: {  	[tilespmem:s21+$0x0] =	vst v8;
	v11 =	vld.idx.msk [tilespmem:v0+s25+$0x0], $0xffff  }
0x13c: {  	s19 =	simm.s32 $0x2EE0;
	[tilespmem:s5+$0x180] =	vst v2;
	v2 =	vld [tilespmem:s4+$0x0]  }
0x13d: {  	s30 =	simm.s32 $0x32C8;
	v12 =	vld.idx.msk [tilespmem:v0+s19+$0x0], $0xffff;
	[tilespmem:s5+$0x200] =	vst v27  }
0x13e: {  	s4 =	simm.s32 $0x36B0;
	v10 =	vld.idx.msk [tilespmem:v0+s30+$0x0], $0xffff;
	[tilespmem:s5+$0x280] =	vst v30  }
0x13f: {  	s19 =	simm.s32 $0x3A98;
	v9 =	vld.idx.msk [tilespmem:v0+s4+$0x0], $0xffff;
	[tilespmem:s5+$0x300] =	vst v25  }
0x140: {  	s29 =	simm.s32 $0x1770;
	[tilespmem:s21+$0x80] =	vst v20;
	v8 =	vld.idx.msk [tilespmem:v0+s19+$0x0], $0xffff  }
0x141: {  	s26 =	simm.s32 $0x1B58;
	[tilespmem:s18+$0x380] =	vst v17;
	v20 =	vld.idx.msk [tilespmem:v16+s29+$0x0], $0xffff  }
0x142: {  	s6 =	simm.s32 $0x0;
	[tilespmem:s20+$0x0] =	vst v18;
	v17 =	vld.idx.msk [tilespmem:v16+s26+$0x0], $0xffff  }
0x143: {  	s16 =	simm.s32 $0x3E8;
	[tilespmem:s20+$0x80] =	vst v19;
	v18 =	vld.idx.msk [tilespmem:v16+s6+$0x0], $0xffff  }
0x144: {  	s23 =	simm.s32 $0x3E80;
	[tilespmem:s5+$0x380] =	vst v26;
	v19 =	vld.idx.msk [tilespmem:v16+s16+$0x0], $0xffff  }
0x145: {  	s22 =	simm.s32 $0xBB8;
	v7 =	vld.idx.msk [tilespmem:v0+s23+$0x0], $0xffff;
	[tilespmem:s15+$0x380] =	vst v22  }
0x146: {  	s13 =	simm.s32 $0x7D0;
	v25 =	vld.idx.msk [tilespmem:v16+s22+$0x0], $0xffff;
	[tilespmem:s15+$0x280] =	vst v24  }
0x147: {  	s9 =	simm.s32 $0xFA0;
	v22 =	vld.idx.msk [tilespmem:v16+s13+$0x0], $0xffff;
	[tilespmem:s15+$0x200] =	vst v23  }
0x148: {  	s22 =	simm.s32 $0x1388;
	v24 =	vld.idx.msk [tilespmem:v16+s9+$0x0], $0xffff;
	[tilespmem:s15+$0x180] =	vst v21  }
0x149: {  	s24 =	simm.s32 $0x1F40;
	s26 =	sadd.s32 s12, s2;
	v23 =	vld.idx.msk [tilespmem:v16+s22+$0x0], $0xffff;
	[tilespmem:s14+$0x380] =	vst v3  }
0x14a: {  	s28 =	simm.s32 $0x2328;
	v21 =	vld.idx.msk [tilespmem:v16+s24+$0x0], $0xffff;
	[tilespmem:s26+$0x0] =	vst v18  }
0x14b: {  	s31 =	simm.s32 $0x2710;
	v18 =	vld.idx.msk [tilespmem:v16+s28+$0x0], $0xffff;
	[tilespmem:s26+$0x80] =	vst v19  }
0x14c: {  	s25 =	simm.s32 $0x2AF8;
	v19 =	vld.idx.msk [tilespmem:v16+s31+$0x0], $0xffff;
	[tilespmem:s26+$0x100] =	vst v22  }
0x14d: {  	s1 =	simm.s32 $0x2EE0;
	v22 =	vld.idx.msk [tilespmem:v16+s25+$0x0], $0xffff;
	[tilespmem:s26+$0x180] =	vst v25  }
0x14e: {  	v25 =	vld.idx.msk [tilespmem:v16+s1+$0x0], $0xffff;
	[tilespmem:s26+$0x200] =	vst v24  }
0x14f: {  	v24 =	vld.idx.msk [tilespmem:v16+s30+$0x0], $0xffff;
	[tilespmem:s26+$0x280] =	vst v23  }
0x150: {  	s28 =	sadd.s32 $0x800, s2;
	v23 =	vld.idx.msk [tilespmem:v16+s4+$0x0], $0xffff;
	[tilespmem:s26+$0x300] =	vst v20  }
0x151: {  	s29 =	sadd.s32 s12, s28;
	v20 =	vld.idx.msk [tilespmem:v16+s19+$0x0], $0xffff;
	[tilespmem:s26+$0x380] =	vst v17  }
0x152: {  	s30 =	simm.s32 $0x4268;
	v17 =	vld.idx.msk [tilespmem:v16+s23+$0x0], $0xffff;
	[tilespmem:s29+$0x0] =	vst v21  }
0x153: {  	v21 =	vld.idx.msk [tilespmem:v16+s30+$0x0], $0xffff;
	[tilespmem:s29+$0x80] =	vst v18  }
0x154: {  	s31 =	simm.s32 $0x4A38;
	v18 =	vld.idx.msk [tilespmem:v16+s17+$0x0], $0xffff;
	[tilespmem:s29+$0x100] =	vst v19  }
0x155: {  	s1 =	simm.s32 $0x4E20;
	v19 =	vld.idx.msk [tilespmem:v16+s31+$0x0], $0xffff;
	[tilespmem:s29+$0x180] =	vst v22  }
0x156: {  	s13 =	simm.s32 $0x5208;
	v22 =	vld.idx.msk [tilespmem:v16+s1+$0x0], $0xffff;
	[tilespmem:s29+$0x200] =	vst v25  }
0x157: {  	s17 =	simm.s32 $0x55F0;
	v25 =	vld.idx.msk [tilespmem:v16+s13+$0x0], $0xffff;
	[tilespmem:s29+$0x280] =	vst v24  }
0x158: {  	s16 =	sadd.s32 $0x1000, s2;
	s19 =	simm.s32 $0x59D8;
	v24 =	vld.idx.msk [tilespmem:v16+s17+$0x0], $0xffff;
	[tilespmem:s29+$0x300] =	vst v23  }
0x159: {  	s21 =	simm.s32 $0x5DC0;
	s20 =	sadd.s32 s12, s16;
	v23 =	vld.idx.msk [tilespmem:v16+s19+$0x0], $0xffff;
	[tilespmem:s29+$0x380] =	vst v20  }
0x15a: {  	s22 =	simm.s32 $0x61A8;
	v20 =	vld.idx.msk [tilespmem:v16+s21+$0x0], $0xffff;
	[tilespmem:s20+$0x0] =	vst v17  }
0x15b: {  	s23 =	simm.s32 $0x6590;
	v17 =	vld.idx.msk [tilespmem:v16+s22+$0x0], $0xffff;
	[tilespmem:s20+$0x80] =	vst v21  }
0x15c: {  	s24 =	simm.s32 $0x6978;
	v21 =	vld.idx.msk [tilespmem:v16+s23+$0x0], $0xffff;
	[tilespmem:s20+$0x100] =	vst v18  }
0x15d: {  	s0 =	sadd.s32 s7, s16;
	s25 =	simm.s32 $0x6D60;
	v18 =	vld.idx.msk [tilespmem:v16+s24+$0x0], $0xffff;
	[tilespmem:s20+$0x180] =	vst v19  }
0x15e: {  	s9 =	sadd.s32 s8, s16;
	s6 =	sadd.s32 s7, s28;
	s26 =	simm.s32 $0x7148;
	v19 =	vld.idx.msk [tilespmem:v16+s25+$0x0], $0xffff;
	[tilespmem:s20+$0x200] =	vst v22  }
0x15f: {  	s5 =	sadd.s32 s8, s28;
	s4 =	sadd.s32 s3, s28;
	s31 =	simm.s32 $0x7530;
	v22 =	vld.idx.msk [tilespmem:v16+s26+$0x0], $0xffff;
	[tilespmem:s20+$0x280] =	vst v25  }
0x160: {  	s28 =	sadd.s32 $0x1800, s2;
	s1 =	sadd.s32 s3, s16;
	s16 =	simm.s32 $0x7918;
	v25 =	vld.idx.msk [tilespmem:v16+s31+$0x0], $0xffff;
	[tilespmem:s20+$0x300] =	vst v24  }
0x161: {  	s17 =	simm.s32 $0x7D00;
	s19 =	sadd.s32 s12, s28;
	v24 =	vld.idx.msk [tilespmem:v16+s16+$0x0], $0xffff;
	[tilespmem:s20+$0x380] =	vst v23  }
0x162: {  	s18 =	simm.s32 $0x80E8;
	v23 =	vld.idx.msk [tilespmem:v16+s17+$0x0], $0xffff;
	[tilespmem:s19+$0x0] =	vst v20  }
0x163: {  	s20 =	simm.s32 $0x84D0;
	v20 =	vld.idx.msk [tilespmem:v16+s18+$0x0], $0xffff;
	[tilespmem:s19+$0x80] =	vst v17  }
0x164: {  	s21 =	simm.s32 $0x88B8;
	v17 =	vld.idx.msk [tilespmem:v16+s20+$0x0], $0xffff;
	[tilespmem:s19+$0x100] =	vst v21  }
0x165: {  	s22 =	simm.s32 $0x8CA0;
	v21 =	vld.idx.msk [tilespmem:v16+s21+$0x0], $0xffff;
	[tilespmem:s19+$0x180] =	vst v18  }
0x166: {  	s30 =	sadd.s32 s7, s28;
	s23 =	simm.s32 $0x9088;
	v18 =	vld.idx.msk [tilespmem:v16+s22+$0x0], $0xffff;
	[tilespmem:s19+$0x200] =	vst v19  }
0x167: {  	s29 =	sadd.s32 s3, s28;
	s31 =	sadd.s32 s8, s28;
	s28 =	simm.s32 $0x9470;
	v19 =	vld.idx.msk [tilespmem:v16+s23+$0x0], $0xffff;
	[tilespmem:s19+$0x280] =	vst v22  }
0x168: {  	s24 =	sadd.s32 $0x2000, s2;
	s16 =	simm.s32 $0x9858;
	v22 =	vld.idx.msk [tilespmem:v16+s28+$0x0], $0xffff;
	[tilespmem:s19+$0x300] =	vst v25  }
0x169: {  	s17 =	simm.s32 $0x9C40;
	v25 =	vld.idx.msk [tilespmem:v16+s16+$0x0], $0xffff;
	[tilespmem:s19+$0x380] =	vst v24;
	s19 =	sadd.s32 s12, s24  }
0x16a: {  	s18 =	simm.s32 $0xA028;
	v24 =	vld.idx.msk [tilespmem:v16+s17+$0x0], $0xffff;
	[tilespmem:s19+$0x0] =	vst v23  }
0x16b: {  	s20 =	simm.s32 $0xA410;
	v23 =	vld.idx.msk [tilespmem:v16+s18+$0x0], $0xffff;
	[tilespmem:s19+$0x80] =	vst v20  }
0x16c: {  	s21 =	simm.s32 $0xA7F8;
	v20 =	vld.idx.msk [tilespmem:v16+s20+$0x0], $0xffff;
	[tilespmem:s19+$0x100] =	vst v17  }
0x16d: {  	s22 =	simm.s32 $0xABE0;
	v17 =	vld.idx.msk [tilespmem:v16+s21+$0x0], $0xffff;
	[tilespmem:s19+$0x180] =	vst v21  }
0x16e: {  	s23 =	simm.s32 $0xAFC8;
	v21 =	vld.idx.msk [tilespmem:v16+s22+$0x0], $0xffff;
	[tilespmem:s19+$0x200] =	vst v18  }
0x16f: {  	s25 =	sadd.s32 s3, s24;
	s26 =	sadd.s32 s7, s24;
	s16 =	simm.s32 $0xB3B0;
	v18 =	vld.idx.msk [tilespmem:v16+s23+$0x0], $0xffff;
	[tilespmem:s19+$0x280] =	vst v19  }
0x170: {  	s28 =	sadd.s32 s8, s24;
	s24 =	sadd.s32 $0x2800, s2;
	s17 =	simm.s32 $0xB798;
	v19 =	vld.idx.msk [tilespmem:v16+s16+$0x0], $0xffff;
	[tilespmem:s19+$0x300] =	vst v22  }
0x171: {  	s20 =	sadd.s32 s12, s24;
	v22 =	vld.idx.msk [tilespmem:v16+s17+$0x0], $0xffff;
	[tilespmem:s19+$0x380] =	vst v25;
	s19 =	simm.s32 $0xBB80  }
0x172: {  	s21 =	simm.s32 $0xBF68;
	v25 =	vld.idx.msk [tilespmem:v16+s19+$0x0], $0xffff;
	[tilespmem:s20+$0x0] =	vst v24  }
0x173: {  	s18 =	simm.s32 $0xC350;
	v24 =	vld.idx.msk [tilespmem:v16+s21+$0x0], $0xffff;
	[tilespmem:s20+$0x80] =	vst v23  }
0x174: {  	s19 =	simm.s32 $0xC738;
	v23 =	vld.idx.msk [tilespmem:v16+s18+$0x0], $0xffff;
	[tilespmem:s20+$0x100] =	vst v20  }
0x175: {  	s21 =	simm.s32 $0xCB20;
	v20 =	vld.idx.msk [tilespmem:v16+s19+$0x0], $0xffff;
	[tilespmem:s20+$0x180] =	vst v17  }
0x176: {  	s18 =	simm.s32 $0xCF08;
	v17 =	vld.idx.msk [tilespmem:v16+s21+$0x0], $0xffff;
	[tilespmem:s20+$0x200] =	vst v21  }
0x177: {  	s19 =	simm.s32 $0xD2F0;
	v21 =	vld.idx.msk [tilespmem:v16+s18+$0x0], $0xffff;
	[tilespmem:s20+$0x280] =	vst v18  }
0x178: {  	s16 =	simm.s32 $0xD6D8;
	s18 =	sadd.s32 $0x3000, s2;
	v18 =	vld.idx.msk [tilespmem:v16+s19+$0x0], $0xffff;
	[tilespmem:s20+$0x300] =	vst v19  }
0x179: {  	v19 =	vld.idx.msk [tilespmem:v16+s16+$0x0], $0xffff;
	[tilespmem:s20+$0x380] =	vst v22;
	s20 =	sadd.s32 s12, s18;
	s16 =	simm.s32 $0xDAC0  }
0x17a: {  	v22 =	vld.idx.msk [tilespmem:v16+s16+$0x0], $0xffff;
	[tilespmem:s20+$0x0] =	vst v25;
	s16 =	simm.s32 $0xDEA8  }
0x17b: {  	v25 =	vld.idx.msk [tilespmem:v16+s16+$0x0], $0xffff;
	[tilespmem:s20+$0x80] =	vst v24;
	s16 =	simm.s32 $0xE290  }
0x17c: {  	v24 =	vld.idx.msk [tilespmem:v16+s16+$0x0], $0xffff;
	[tilespmem:s20+$0x100] =	vst v23;
	s16 =	simm.s32 $0xE678  }
0x17d: {  	s11 =	sadd.s32 s7, s2;
	v23 =	vld.idx.msk [tilespmem:v16+s16+$0x0], $0xffff;
	[tilespmem:s20+$0x180] =	vst v20;
	s16 =	simm.s32 $0xEA60  }
0x17e: {  	s10 =	sadd.s32 s8, s2;
	s23 =	sadd.s32 s7, s24;
	v20 =	vld.idx.msk [tilespmem:v16+s16+$0x0], $0xffff;
	[tilespmem:s20+$0x200] =	vst v17;
	s16 =	simm.s32 $0xEE48  }
0x17f: {  	s2 =	sadd.s32 $0x3800, s2;
	s21 =	sadd.s32 s3, s18;
	v17 =	vld.idx.msk [tilespmem:v16+s16+$0x0], $0xffff;
	[tilespmem:s20+$0x280] =	vst v21;
	s16 =	simm.s32 $0xF230  }
0x180: {  	s19 =	sadd.s32 s7, s18;
	s14 =	smov.u32 s21;
	v21 =	vld.idx.msk [tilespmem:v16+s16+$0x0], $0xffff;
	[tilespmem:s20+$0x300] =	vst v18;
	s16 =	simm.s32 $0xF618  }
0x181: {  	[tilespmem:s4+$0x0] =	vst v15;
	s21 =	sadd.s32 s7, s2;
	s7 =	sadd.s32 s12, s2;
	s12 =	simm.s32 $0xBB8;
	v15 =	vld.idx.msk [tilespmem:v16+s16+$0x0], $0xffff  }
0x182: {  	s16 =	simm.s32 $0x0;
	[tilespmem:s20+$0x380] =	vst v19;
	v19 =	vld.idx.msk [tilespmem:v2+s12+$0x0], $0xffff  }
0x183: {  	[tilespmem:s15+$0x300] =	vst v29;
	v16 =	vld.idx.msk [tilespmem:v1+s16+$0x0], $0xffff  }
0x184: {  	[tilespmem:s15+$0x100] =	vst v6;
	s20 =	simm.s32 $0x3E8;
	v18 =	vld.idx.msk [tilespmem:v2+s16+$0x0], $0xffff  }
0x185: {  	[tilespmem:s15+$0x0] =	vst v4;
	v6 =	vld.idx.msk [tilespmem:v1+s20+$0x0], $0xffff  }
0x186: {  	[tilespmem:s15+$0x80] =	vst v5;
	s22 =	sadd.s32 s3, s24;
	s15 =	sadd.s32 s3, s2;
	s3 =	simm.s32 $0x1388;
	v3 =	vld.idx.msk [tilespmem:v2+s20+$0x0], $0xffff  }
0x187: {  	s20 =	simm.s32 $0x7D0;
	[tilespmem:s7+$0x180] =	vst v23;
	v23 =	vld.idx.msk [tilespmem:v2+s3+$0x0], $0xffff  }
0x188: {  	v4 =	vld.idx.msk [tilespmem:v1+s20+$0x0], $0xffff  }
0x189: {  	s16 =	simm.s32 $0xFA0;
	v5 =	vld.idx.msk [tilespmem:v2+s20+$0x0], $0xffff  }
0x18a: {  	s24 =	sadd.s32 s8, s24;
	[tilespmem:s7+$0x200] =	vst v20;
	v20 =	vld.idx.msk [tilespmem:v2+s16+$0x0], $0xffff  }
0x18b: {  	s18 =	sadd.s32 s8, s18;
	s20 =	sadd.s32 s8, s2;
	s8 =	simm.s32 $0x1770;
	[tilespmem:s7+$0x280] =	vst v17;
	v17 =	vld.idx.msk [tilespmem:v1+s16+$0x0], $0xffff  }
0x18c: {  	[tilespmem:s7+$0x0] =	vst v22;
	v22 =	vld.idx.msk [tilespmem:v1+s8+$0x0], $0xffff  }
0x18d: {  	s16 =	simm.s32 $0x1F40;
	[tilespmem:s7+$0x300] =	vst v21;
	v21 =	vld.idx.msk [tilespmem:v1+s3+$0x0], $0xffff  }
0x18e: {  	[tilespmem:s7+$0x80] =	vst v25;
	v25 =	vld.idx.msk [tilespmem:v1+s16+$0x0], $0xffff  }
0x18f: {  	v27 =	vld.idx.msk [tilespmem:v2+s16+$0x0], $0xffff  }
0x190: {  	[tilespmem:s7+$0x380] =	vst v15;
	v15 =	vld.idx.msk [tilespmem:v1+s12+$0x0], $0xffff;
	s12 =	simm.s32 $0x1B58  }
0x191: {  	[tilespmem:s7+$0x100] =	vst v24;
	v24 =	vld.idx.msk [tilespmem:v1+s12+$0x0], $0xffff  }
0x192: {  	[tilespmem:s11+$0x0] =	vst v16;
	v16 =	vld.idx.msk [tilespmem:v2+s8+$0x0], $0xffff  }
0x193: {  	v26 =	vld.idx.msk [tilespmem:v2+s12+$0x0], $0xffff;
	[tilespmem:s10+$0x0] =	vst v18;
	s8 =	simm.s32 $0x2328  }
0x194: {  	v18 =	vld.idx.msk [tilespmem:v1+s8+$0x0], $0xffff;
	[tilespmem:s11+$0x80] =	vst v6  }
0x195: {  	s12 =	simm.s32 $0x2710;
	v6 =	vld.idx.msk [tilespmem:v2+s8+$0x0], $0xffff;
	[tilespmem:s10+$0x80] =	vst v3  }
0x196: {  	v3 =	vld.idx.msk [tilespmem:v1+s12+$0x0], $0xffff;
	[tilespmem:s11+$0x100] =	vst v4  }
0x197: {  	s16 =	simm.s32 $0x2AF8;
	v4 =	vld.idx.msk [tilespmem:v2+s12+$0x0], $0xffff;
	[tilespmem:s10+$0x100] =	vst v5  }
0x198: {  	v5 =	vld.idx.msk [tilespmem:v1+s16+$0x0], $0xffff;
	[tilespmem:s11+$0x180] =	vst v15  }
0x199: {  	s3 =	simm.s32 $0x2EE0;
	v15 =	vld.idx.msk [tilespmem:v2+s16+$0x0], $0xffff;
	[tilespmem:s10+$0x180] =	vst v19  }
0x19a: {  	v19 =	vld.idx.msk [tilespmem:v1+s3+$0x0], $0xffff;
	[tilespmem:s11+$0x200] =	vst v17  }
0x19b: {  	s13 =	simm.s32 $0x32C8;
	v17 =	vld.idx.msk [tilespmem:v2+s3+$0x0], $0xffff;
	[tilespmem:s10+$0x200] =	vst v20  }
0x19c: {  	v20 =	vld.idx.msk [tilespmem:v1+s13+$0x0], $0xffff;
	[tilespmem:s11+$0x280] =	vst v21  }
0x19d: {  	s7 =	simm.s32 $0x36B0;
	v21 =	vld.idx.msk [tilespmem:v2+s13+$0x0], $0xffff;
	[tilespmem:s10+$0x280] =	vst v23  }
0x19e: {  	v23 =	vld.idx.msk [tilespmem:v1+s7+$0x0], $0xffff;
	[tilespmem:s11+$0x300] =	vst v22  }
0x19f: {  	s8 =	simm.s32 $0x3A98;
	v22 =	vld.idx.msk [tilespmem:v2+s7+$0x0], $0xffff;
	[tilespmem:s10+$0x300] =	vst v16  }
0x1a0: {  	s12 =	simm.s32 $0x3A98;
	v16 =	vld.idx.msk [tilespmem:v1+s8+$0x0], $0xffff;
	[tilespmem:s11+$0x380] =	vst v24  }
0x1a1: {  	s13 =	simm.s32 $0x3E80;
	v24 =	vld.idx.msk [tilespmem:v2+s12+$0x0], $0xffff;
	[tilespmem:s10+$0x380] =	vst v26  }
0x1a2: {  	v26 =	vld.idx.msk [tilespmem:v1+s13+$0x0], $0xffff;
	[tilespmem:s6+$0x0] =	vst v25  }
0x1a3: {  	s17 =	simm.s32 $0x4268;
	v25 =	vld.idx.msk [tilespmem:v2+s13+$0x0], $0xffff;
	[tilespmem:s5+$0x0] =	vst v27  }
0x1a4: {  	v27 =	vld.idx.msk [tilespmem:v1+s17+$0x0], $0xffff;
	[tilespmem:s6+$0x80] =	vst v18  }
0x1a5: {  	v18 =	vld.idx.msk [tilespmem:v2+s17+$0x0], $0xffff;
	[tilespmem:s5+$0x80] =	vst v6  }
0x1a6: {  	v6 =	vld.idx.msk [tilespmem:v0+s17+$0x0], $0xffff;
	s17 =	simm.s32 $0x4650;
	[tilespmem:s4+$0x80] =	vst v14  }
0x1a7: {  	v14 =	vld.idx.msk [tilespmem:v1+s17+$0x0], $0xffff;
	[tilespmem:s6+$0x100] =	vst v3  }
0x1a8: {  	v3 =	vld.idx.msk [tilespmem:v2+s17+$0x0], $0xffff;
	[tilespmem:s5+$0x100] =	vst v4  }
0x1a9: {  	s16 =	simm.s32 $0x4A38;
	v4 =	vld.idx.msk [tilespmem:v0+s17+$0x0], $0xffff;
	[tilespmem:s4+$0x100] =	vst v13  }
0x1aa: {  	s3 =	simm.s32 $0x4A38;
	v13 =	vld.idx.msk [tilespmem:v1+s16+$0x0], $0xffff;
	[tilespmem:s6+$0x180] =	vst v5  }
0x1ab: {  	s7 =	simm.s32 $0x4A38;
	v5 =	vld.idx.msk [tilespmem:v2+s3+$0x0], $0xffff;
	[tilespmem:s5+$0x180] =	vst v15  }
0x1ac: {  	s8 =	simm.s32 $0x4E20;
	v15 =	vld.idx.msk [tilespmem:v0+s7+$0x0], $0xffff;
	[tilespmem:s4+$0x180] =	vst v11  }
0x1ad: {  	s10 =	simm.s32 $0x4E20;
	v11 =	vld.idx.msk [tilespmem:v1+s8+$0x0], $0xffff;
	[tilespmem:s6+$0x200] =	vst v19  }
0x1ae: {  	s11 =	simm.s32 $0x4E20;
	v19 =	vld.idx.msk [tilespmem:v2+s10+$0x0], $0xffff;
	[tilespmem:s5+$0x200] =	vst v17  }
0x1af: {  	s12 =	simm.s32 $0x5208;
	v17 =	vld.idx.msk [tilespmem:v0+s11+$0x0], $0xffff;
	[tilespmem:s4+$0x200] =	vst v12  }
0x1b0: {  	s13 =	simm.s32 $0x5208;
	v12 =	vld.idx.msk [tilespmem:v1+s12+$0x0], $0xffff;
	[tilespmem:s6+$0x280] =	vst v20  }
0x1b1: {  	s16 =	simm.s32 $0x5208;
	v20 =	vld.idx.msk [tilespmem:v2+s13+$0x0], $0xffff;
	[tilespmem:s5+$0x280] =	vst v21  }
0x1b2: {  	s3 =	simm.s32 $0x55F0;
	v21 =	vld.idx.msk [tilespmem:v0+s16+$0x0], $0xffff;
	[tilespmem:s4+$0x280] =	vst v10  }
0x1b3: {  	s7 =	simm.s32 $0x55F0;
	v10 =	vld.idx.msk [tilespmem:v1+s3+$0x0], $0xffff;
	[tilespmem:s6+$0x300] =	vst v23  }
0x1b4: {  	s8 =	simm.s32 $0x55F0;
	v23 =	vld.idx.msk [tilespmem:v2+s7+$0x0], $0xffff;
	[tilespmem:s5+$0x300] =	vst v22  }
0x1b5: {  	s10 =	simm.s32 $0x59D8;
	v22 =	vld.idx.msk [tilespmem:v0+s8+$0x0], $0xffff;
	[tilespmem:s4+$0x300] =	vst v9  }
0x1b6: {  	s11 =	simm.s32 $0x59D8;
	v9 =	vld.idx.msk [tilespmem:v1+s10+$0x0], $0xffff;
	[tilespmem:s6+$0x380] =	vst v16  }
0x1b7: {  	s12 =	simm.s32 $0x59D8;
	v16 =	vld.idx.msk [tilespmem:v2+s11+$0x0], $0xffff;
	[tilespmem:s5+$0x380] =	vst v24  }
0x1b8: {  	s13 =	simm.s32 $0x5DC0;
	v24 =	vld.idx.msk [tilespmem:v0+s12+$0x0], $0xffff;
	[tilespmem:s4+$0x380] =	vst v8  }
0x1b9: {  	v8 =	vld.idx.msk [tilespmem:v1+s13+$0x0], $0xffff;
	[tilespmem:s0+$0x0] =	vst v26  }
0x1ba: {  	s16 =	simm.s32 $0x5DC0;
	v26 =	vld.idx.msk [tilespmem:v2+s13+$0x0], $0xffff;
	[tilespmem:s9+$0x0] =	vst v25  }
0x1bb: {  	s3 =	simm.s32 $0x61A8;
	v25 =	vld.idx.msk [tilespmem:v0+s16+$0x0], $0xffff;
	[tilespmem:s1+$0x0] =	vst v7  }
0x1bc: {  	v7 =	vld.idx.msk [tilespmem:v1+s3+$0x0], $0xffff;
	[tilespmem:s0+$0x80] =	vst v27  }
0x1bd: {  	s6 =	simm.s32 $0x61A8;
	v27 =	vld.idx.msk [tilespmem:v2+s3+$0x0], $0xffff;
	[tilespmem:s9+$0x80] =	vst v18  }
0x1be: {  	s7 =	simm.s32 $0x6590;
	v18 =	vld.idx.msk [tilespmem:v0+s6+$0x0], $0xffff;
	[tilespmem:s1+$0x80] =	vst v6  }
0x1bf: {  	v6 =	vld.idx.msk [tilespmem:v1+s7+$0x0], $0xffff;
	[tilespmem:s0+$0x100] =	vst v14  }
0x1c0: {  	s8 =	simm.s32 $0x6590;
	v14 =	vld.idx.msk [tilespmem:v2+s7+$0x0], $0xffff;
	[tilespmem:s9+$0x100] =	vst v3  }
0x1c1: {  	s10 =	simm.s32 $0x6978;
	v3 =	vld.idx.msk [tilespmem:v0+s8+$0x0], $0xffff;
	[tilespmem:s1+$0x100] =	vst v4  }
0x1c2: {  	v4 =	vld.idx.msk [tilespmem:v1+s10+$0x0], $0xffff;
	[tilespmem:s0+$0x180] =	vst v13  }
0x1c3: {  	s11 =	simm.s32 $0x6978;
	v13 =	vld.idx.msk [tilespmem:v2+s10+$0x0], $0xffff;
	[tilespmem:s9+$0x180] =	vst v5  }
0x1c4: {  	s12 =	simm.s32 $0x6D60;
	v5 =	vld.idx.msk [tilespmem:v0+s11+$0x0], $0xffff;
	[tilespmem:s1+$0x180] =	vst v15  }
0x1c5: {  	v15 =	vld.idx.msk [tilespmem:v1+s12+$0x0], $0xffff;
	[tilespmem:s0+$0x200] =	vst v11  }
0x1c6: {  	s13 =	simm.s32 $0x6D60;
	v11 =	vld.idx.msk [tilespmem:v2+s12+$0x0], $0xffff;
	[tilespmem:s9+$0x200] =	vst v19  }
0x1c7: {  	s16 =	simm.s32 $0x7148;
	v19 =	vld.idx.msk [tilespmem:v0+s13+$0x0], $0xffff;
	[tilespmem:s1+$0x200] =	vst v17  }
0x1c8: {  	v17 =	vld.idx.msk [tilespmem:v1+s16+$0x0], $0xffff;
	[tilespmem:s0+$0x280] =	vst v12  }
0x1c9: {  	s3 =	simm.s32 $0x7148;
	v12 =	vld.idx.msk [tilespmem:v2+s16+$0x0], $0xffff;
	[tilespmem:s9+$0x280] =	vst v20  }
0x1ca: {  	s6 =	simm.s32 $0x7530;
	v20 =	vld.idx.msk [tilespmem:v0+s3+$0x0], $0xffff;
	[tilespmem:s1+$0x280] =	vst v21  }
0x1cb: {  	v21 =	vld.idx.msk [tilespmem:v1+s6+$0x0], $0xffff;
	[tilespmem:s0+$0x300] =	vst v10  }
0x1cc: {  	s7 =	simm.s32 $0x7530;
	v10 =	vld.idx.msk [tilespmem:v2+s6+$0x0], $0xffff;
	[tilespmem:s9+$0x300] =	vst v23  }
0x1cd: {  	s8 =	simm.s32 $0x7918;
	v23 =	vld.idx.msk [tilespmem:v0+s7+$0x0], $0xffff;
	[tilespmem:s1+$0x300] =	vst v22  }
0x1ce: {  	v22 =	vld.idx.msk [tilespmem:v1+s8+$0x0], $0xffff;
	[tilespmem:s0+$0x380] =	vst v9  }
0x1cf: {  	s10 =	simm.s32 $0x7918;
	v9 =	vld.idx.msk [tilespmem:v2+s8+$0x0], $0xffff;
	[tilespmem:s9+$0x380] =	vst v16  }
0x1d0: {  	s11 =	simm.s32 $0x7D00;
	v16 =	vld.idx.msk [tilespmem:v0+s10+$0x0], $0xffff;
	[tilespmem:s1+$0x380] =	vst v24  }
0x1d1: {  	v24 =	vld.idx.msk [tilespmem:v1+s11+$0x0], $0xffff;
	[tilespmem:s30+$0x0] =	vst v8  }
0x1d2: {  	s12 =	simm.s32 $0x7D00;
	v8 =	vld.idx.msk [tilespmem:v2+s11+$0x0], $0xffff;
	[tilespmem:s31+$0x0] =	vst v26  }
0x1d3: {  	s13 =	simm.s32 $0x80E8;
	v26 =	vld.idx.msk [tilespmem:v0+s12+$0x0], $0xffff;
	[tilespmem:s29+$0x0] =	vst v25  }
0x1d4: {  	v25 =	vld.idx.msk [tilespmem:v1+s13+$0x0], $0xffff;
	[tilespmem:s30+$0x80] =	vst v7  }
0x1d5: {  	s16 =	simm.s32 $0x80E8;
	v7 =	vld.idx.msk [tilespmem:v2+s13+$0x0], $0xffff;
	[tilespmem:s31+$0x80] =	vst v27  }
0x1d6: {  	s1 =	simm.s32 $0x84D0;
	v27 =	vld.idx.msk [tilespmem:v0+s16+$0x0], $0xffff;
	[tilespmem:s29+$0x80] =	vst v18  }
0x1d7: {  	v18 =	vld.idx.msk [tilespmem:v1+s1+$0x0], $0xffff;
	[tilespmem:s30+$0x100] =	vst v6  }
0x1d8: {  	s2 =	simm.s32 $0x84D0;
	v6 =	vld.idx.msk [tilespmem:v2+s1+$0x0], $0xffff;
	[tilespmem:s31+$0x100] =	vst v14  }
0x1d9: {  	s3 =	simm.s32 $0x88B8;
	v14 =	vld.idx.msk [tilespmem:v0+s2+$0x0], $0xffff;
	[tilespmem:s29+$0x100] =	vst v3  }
0x1da: {  	v3 =	vld.idx.msk [tilespmem:v1+s3+$0x0], $0xffff;
	[tilespmem:s30+$0x180] =	vst v4  }
0x1db: {  	s6 =	simm.s32 $0x88B8;
	v4 =	vld.idx.msk [tilespmem:v2+s3+$0x0], $0xffff;
	[tilespmem:s31+$0x180] =	vst v13  }
0x1dc: {  	s7 =	simm.s32 $0x8CA0;
	v13 =	vld.idx.msk [tilespmem:v0+s6+$0x0], $0xffff;
	[tilespmem:s29+$0x180] =	vst v5  }
0x1dd: {  	v5 =	vld.idx.msk [tilespmem:v1+s7+$0x0], $0xffff;
	[tilespmem:s30+$0x200] =	vst v15  }
0x1de: {  	s8 =	simm.s32 $0x8CA0;
	v15 =	vld.idx.msk [tilespmem:v2+s7+$0x0], $0xffff;
	[tilespmem:s31+$0x200] =	vst v11  }
0x1df: {  	s9 =	simm.s32 $0x9088;
	v11 =	vld.idx.msk [tilespmem:v0+s8+$0x0], $0xffff;
	[tilespmem:s29+$0x200] =	vst v19  }
0x1e0: {  	v19 =	vld.idx.msk [tilespmem:v1+s9+$0x0], $0xffff;
	[tilespmem:s30+$0x280] =	vst v17  }
0x1e1: {  	s10 =	simm.s32 $0x9088;
	v17 =	vld.idx.msk [tilespmem:v2+s9+$0x0], $0xffff;
	[tilespmem:s31+$0x280] =	vst v12  }
0x1e2: {  	s11 =	simm.s32 $0x9470;
	v12 =	vld.idx.msk [tilespmem:v0+s10+$0x0], $0xffff;
	[tilespmem:s29+$0x280] =	vst v20  }
0x1e3: {  	v20 =	vld.idx.msk [tilespmem:v1+s11+$0x0], $0xffff;
	[tilespmem:s30+$0x300] =	vst v21  }
0x1e4: {  	s12 =	simm.s32 $0x9470;
	v21 =	vld.idx.msk [tilespmem:v2+s11+$0x0], $0xffff;
	[tilespmem:s31+$0x300] =	vst v10  }
0x1e5: {  	s13 =	simm.s32 $0x9858;
	v10 =	vld.idx.msk [tilespmem:v0+s12+$0x0], $0xffff;
	[tilespmem:s29+$0x300] =	vst v23  }
0x1e6: {  	v23 =	vld.idx.msk [tilespmem:v1+s13+$0x0], $0xffff;
	[tilespmem:s30+$0x380] =	vst v22  }
0x1e7: {  	s16 =	simm.s32 $0x9858;
	v22 =	vld.idx.msk [tilespmem:v2+s13+$0x0], $0xffff;
	[tilespmem:s31+$0x380] =	vst v9  }
0x1e8: {  	v9 =	vld.idx.msk [tilespmem:v0+s16+$0x0], $0xffff;
	[tilespmem:s29+$0x380] =	vst v16;
	s29 =	simm.s32 $0x9C40  }
0x1e9: {  	v16 =	vld.idx.msk [tilespmem:v1+s29+$0x0], $0xffff;
	[tilespmem:s26+$0x0] =	vst v24  }
0x1ea: {  	s30 =	simm.s32 $0x9C40;
	v24 =	vld.idx.msk [tilespmem:v2+s29+$0x0], $0xffff;
	[tilespmem:s28+$0x0] =	vst v8  }
0x1eb: {  	s31 =	simm.s32 $0xA028;
	v8 =	vld.idx.msk [tilespmem:v0+s30+$0x0], $0xffff;
	[tilespmem:s25+$0x0] =	vst v26  }
0x1ec: {  	v26 =	vld.idx.msk [tilespmem:v1+s31+$0x0], $0xffff;
	[tilespmem:s26+$0x80] =	vst v25  }
0x1ed: {  	s1 =	simm.s32 $0xA028;
	v25 =	vld.idx.msk [tilespmem:v2+s31+$0x0], $0xffff;
	[tilespmem:s28+$0x80] =	vst v7  }
0x1ee: {  	s2 =	simm.s32 $0xA410;
	v7 =	vld.idx.msk [tilespmem:v0+s1+$0x0], $0xffff;
	[tilespmem:s25+$0x80] =	vst v27  }
0x1ef: {  	v27 =	vld.idx.msk [tilespmem:v1+s2+$0x0], $0xffff;
	[tilespmem:s26+$0x100] =	vst v18  }
0x1f0: {  	s3 =	simm.s32 $0xA410;
	v18 =	vld.idx.msk [tilespmem:v2+s2+$0x0], $0xffff;
	[tilespmem:s28+$0x100] =	vst v6  }
0x1f1: {  	s6 =	simm.s32 $0xA7F8;
	v6 =	vld.idx.msk [tilespmem:v0+s3+$0x0], $0xffff;
	[tilespmem:s25+$0x100] =	vst v14  }
0x1f2: {  	v14 =	vld.idx.msk [tilespmem:v1+s6+$0x0], $0xffff;
	[tilespmem:s26+$0x180] =	vst v3  }
0x1f3: {  	s7 =	simm.s32 $0xA7F8;
	v3 =	vld.idx.msk [tilespmem:v2+s6+$0x0], $0xffff;
	[tilespmem:s28+$0x180] =	vst v4  }
0x1f4: {  	s8 =	simm.s32 $0xABE0;
	v4 =	vld.idx.msk [tilespmem:v0+s7+$0x0], $0xffff;
	[tilespmem:s25+$0x180] =	vst v13  }
0x1f5: {  	v13 =	vld.idx.msk [tilespmem:v1+s8+$0x0], $0xffff;
	[tilespmem:s26+$0x200] =	vst v5  }
0x1f6: {  	s9 =	simm.s32 $0xABE0;
	v5 =	vld.idx.msk [tilespmem:v2+s8+$0x0], $0xffff;
	[tilespmem:s28+$0x200] =	vst v15  }
0x1f7: {  	s10 =	simm.s32 $0xAFC8;
	v15 =	vld.idx.msk [tilespmem:v0+s9+$0x0], $0xffff;
	[tilespmem:s25+$0x200] =	vst v11  }
0x1f8: {  	v11 =	vld.idx.msk [tilespmem:v1+s10+$0x0], $0xffff;
	[tilespmem:s26+$0x280] =	vst v19  }
0x1f9: {  	s11 =	simm.s32 $0xAFC8;
	v19 =	vld.idx.msk [tilespmem:v2+s10+$0x0], $0xffff;
	[tilespmem:s28+$0x280] =	vst v17  }
0x1fa: {  	s12 =	simm.s32 $0xB3B0;
	v17 =	vld.idx.msk [tilespmem:v0+s11+$0x0], $0xffff;
	[tilespmem:s25+$0x280] =	vst v12  }
0x1fb: {  	v62 =	vld.idx.msk [tilespmem:v1+s12+$0x0], $0xffff;
	[tilespmem:s26+$0x300] =	vst v20  }
0x1fc: {  	s13 =	simm.s32 $0xB3B0;
	v20 =	vld.idx.msk [tilespmem:v2+s12+$0x0], $0xffff;
	[tilespmem:s28+$0x300] =	vst v21  }
0x1fd: {  	s16 =	simm.s32 $0xB798;
	v21 =	vld.idx.msk [tilespmem:v0+s13+$0x0], $0xffff;
	[tilespmem:s25+$0x300] =	vst v10  }
0x1fe: {  	v10 =	vld.idx.msk [tilespmem:v1+s16+$0x0], $0xffff;
	[tilespmem:s26+$0x380] =	vst v23  }
0x1ff: {  	v63 =	vld.idx.msk [tilespmem:v2+s16+$0x0], $0xffff;
	s26 =	simm.s32 $0xB798;
	[tilespmem:s28+$0x380] =	vst v22  }
0x200: {  	s28 =	simm.s32 $0xBB80;
	v30 =	vld.idx.msk [tilespmem:v0+s26+$0x0], $0xffff;
	[tilespmem:s25+$0x380] =	vst v9  }
0x201: {  	v9 =	vld.idx.msk [tilespmem:v1+s28+$0x0], $0xffff;
	[tilespmem:s23+$0x0] =	vst v16  }
0x202: {  	s29 =	simm.s32 $0xBB80;
	v31 =	vld.idx.msk [tilespmem:v2+s28+$0x0], $0xffff;
	[tilespmem:s24+$0x0] =	vst v24  }
0x203: {  	s30 =	simm.s32 $0xBF68;
	v32 =	vld.idx.msk [tilespmem:v0+s29+$0x0], $0xffff;
	[tilespmem:s22+$0x0] =	vst v8  }
0x204: {  	v33 =	vld.idx.msk [tilespmem:v1+s30+$0x0], $0xffff;
	[tilespmem:s23+$0x80] =	vst v26  }
0x205: {  	s31 =	simm.s32 $0xBF68;
	v26 =	vld.idx.msk [tilespmem:v2+s30+$0x0], $0xffff;
	[tilespmem:s24+$0x80] =	vst v25  }
0x206: {  	s1 =	simm.s32 $0xC350;
	v25 =	vld.idx.msk [tilespmem:v0+s31+$0x0], $0xffff;
	[tilespmem:s22+$0x80] =	vst v7  }
0x207: {  	v34 =	vld.idx.msk [tilespmem:v1+s1+$0x0], $0xffff;
	[tilespmem:s23+$0x100] =	vst v27  }
0x208: {  	s2 =	simm.s32 $0xC350;
	v27 =	vld.idx.msk [tilespmem:v2+s1+$0x0], $0xffff;
	[tilespmem:s24+$0x100] =	vst v18  }
0x209: {  	s3 =	simm.s32 $0xC738;
	v35 =	vld.idx.msk [tilespmem:v0+s2+$0x0], $0xffff;
	[tilespmem:s22+$0x100] =	vst v6  }
0x20a: {  	v36 =	vld.idx.msk [tilespmem:v1+s3+$0x0], $0xffff;
	[tilespmem:s23+$0x180] =	vst v14  }
0x20b: {  	s6 =	simm.s32 $0xC738;
	v37 =	vld.idx.msk [tilespmem:v2+s3+$0x0], $0xffff;
	[tilespmem:s24+$0x180] =	vst v3  }
0x20c: {  	s7 =	simm.s32 $0xCB20;
	v38 =	vld.idx.msk [tilespmem:v0+s6+$0x0], $0xffff;
	[tilespmem:s22+$0x180] =	vst v4  }
0x20d: {  	v23 =	vld.idx.msk [tilespmem:v1+s7+$0x0], $0xffff;
	[tilespmem:s23+$0x200] =	vst v13  }
0x20e: {  	s8 =	simm.s32 $0xCB20;
	v24 =	vld.idx.msk [tilespmem:v2+s7+$0x0], $0xffff;
	[tilespmem:s24+$0x200] =	vst v5  }
0x20f: {  	s9 =	simm.s32 $0xCF08;
	v22 =	vld.idx.msk [tilespmem:v0+s8+$0x0], $0xffff;
	[tilespmem:s22+$0x200] =	vst v15  }
0x210: {  	v16 =	vld.idx.msk [tilespmem:v1+s9+$0x0], $0xffff;
	[tilespmem:s23+$0x280] =	vst v11  }
0x211: {  	s10 =	simm.s32 $0xCF08;
	v15 =	vld.idx.msk [tilespmem:v2+s9+$0x0], $0xffff;
	[tilespmem:s24+$0x280] =	vst v19  }
0x212: {  	s11 =	simm.s32 $0xD2F0;
	v11 =	vld.idx.msk [tilespmem:v0+s10+$0x0], $0xffff;
	[tilespmem:s22+$0x280] =	vst v17  }
0x213: {  	v12 =	vld.idx.msk [tilespmem:v1+s11+$0x0], $0xffff;
	[tilespmem:s23+$0x300] =	vst v62  }
0x214: {  	s12 =	simm.s32 $0xD2F0;
	v13 =	vld.idx.msk [tilespmem:v2+s11+$0x0], $0xffff;
	[tilespmem:s24+$0x300] =	vst v20  }
0x215: {  	s13 =	simm.s32 $0xD6D8;
	v14 =	vld.idx.msk [tilespmem:v0+s12+$0x0], $0xffff;
	[tilespmem:s22+$0x300] =	vst v21  }
0x216: {  	v7 =	vld.idx.msk [tilespmem:v1+s13+$0x0], $0xffff;
	[tilespmem:s23+$0x380] =	vst v10  }
0x217: {  	s16 =	simm.s32 $0xD6D8;
	v17 =	vld.idx.msk [tilespmem:v2+s13+$0x0], $0xffff;
	[tilespmem:s24+$0x380] =	vst v63  }
0x218: {  	s23 =	simm.s32 $0xDAC0;
	v3 =	vld.idx.msk [tilespmem:v0+s16+$0x0], $0xffff;
	[tilespmem:s22+$0x380] =	vst v30  }
0x219: {  	v8 =	vld.idx.msk [tilespmem:v1+s23+$0x0], $0xffff;
	[tilespmem:s19+$0x0] =	vst v9  }
0x21a: {  	s24 =	simm.s32 $0xDAC0;
	v18 =	vld.idx.msk [tilespmem:v2+s23+$0x0], $0xffff;
	[tilespmem:s18+$0x0] =	vst v31  }
0x21b: {  	s25 =	simm.s32 $0xDEA8;
	v4 =	vld.idx.msk [tilespmem:v0+s24+$0x0], $0xffff;
	[tilespmem:s14+$0x0] =	vst v32  }
0x21c: {  	v20 =	vld.idx.msk [tilespmem:v1+s25+$0x0], $0xffff;
	[tilespmem:s19+$0x80] =	vst v33  }
0x21d: {  	s26 =	simm.s32 $0xDEA8;
	v19 =	vld.idx.msk [tilespmem:v2+s25+$0x0], $0xffff;
	[tilespmem:s18+$0x80] =	vst v26  }
0x21e: {  	s28 =	simm.s32 $0xE290;
	v5 =	vld.idx.msk [tilespmem:v0+s26+$0x0], $0xffff;
	[tilespmem:s14+$0x80] =	vst v25  }
0x21f: {  	v10 =	vld.idx.msk [tilespmem:v1+s28+$0x0], $0xffff;
	[tilespmem:s19+$0x100] =	vst v34  }
.Ltmp0:
0x220: {  	s29 =	simm.s32 $0xE290;
	v9 =	vld.idx.msk [tilespmem:v2+s28+$0x0], $0xffff;
	[tilespmem:s18+$0x100] =	vst v27;
	(pc) =	sbr.rel @p1 .LBB2_3-.Ltmp0, $4  }
0x221: {  	s30 =	simm.s32 $0xE678;
	v6 =	vld.idx.msk [tilespmem:v0+s29+$0x0], $0xffff;
	[tilespmem:s14+$0x100] =	vst v35  }
0x222: {  	v25 =	vld.idx.msk [tilespmem:v1+s30+$0x0], $0xffff;
	[tilespmem:s19+$0x180] =	vst v36  }
0x223: {  	s5 =	rddreg [dreg:$0x7];
	s31 =	simm.s32 $0xE678;
	v26 =	vld.idx.msk [tilespmem:v2+s30+$0x0], $0xffff;
	[tilespmem:s18+$0x180] =	vst v37  }
0x224: {  	s4 =	rddreg [dreg:$0x6];
	v21 =	vld.idx.msk [tilespmem:v0+s31+$0x0], $0xffff;
	[tilespmem:s14+$0x180] =	vst v38  }
0x225: {  	_ =	sdelay $0x2  }
0x226: {  	s0 =	simm.s32 $0xEA60  }
0x227: {  	v27 =	vld.idx.msk [tilespmem:v1+s0+$0x0], $0xffff;
	[tilespmem:s19+$0x200] =	vst v23  }
0x228: {  	v53 =	vld.idx.msk [tilespmem:v2+s0+$0x0], $0xffff;
	[tilespmem:s18+$0x200] =	vst v24  }
0x229: {  	s28 =	simm.s32 $0xEE48;
	v54 =	vld.idx.msk [tilespmem:v0+s0+$0x0], $0xffff;
	[tilespmem:s14+$0x200] =	vst v22  }
0x22a: {  	v55 =	vld.idx.msk [tilespmem:v1+s28+$0x0], $0xffff;
	[tilespmem:s19+$0x280] =	vst v16  }
0x22b: {  	v56 =	vld.idx.msk [tilespmem:v2+s28+$0x0], $0xffff;
	[tilespmem:s18+$0x280] =	vst v15  }
0x22c: {  	s29 =	simm.s32 $0xF230;
	v57 =	vld.idx.msk [tilespmem:v0+s28+$0x0], $0xffff;
	[tilespmem:s14+$0x280] =	vst v11  }
0x22d: {  	v58 =	vld.idx.msk [tilespmem:v1+s29+$0x0], $0xffff;
	[tilespmem:s19+$0x300] =	vst v12  }
0x22e: {  	v59 =	vld.idx.msk [tilespmem:v2+s29+$0x0], $0xffff;
	[tilespmem:s18+$0x300] =	vst v13  }
0x22f: {  	s30 =	simm.s32 $0xF618;
	v60 =	vld.idx.msk [tilespmem:v0+s29+$0x0], $0xffff;
	[tilespmem:s14+$0x300] =	vst v14  }
0x230: {  	v61 =	vld.idx.msk [tilespmem:v1+s30+$0x0], $0xffff;
	[tilespmem:s21+$0x180] =	vst v25  }
0x231: {  	v62 =	vld.idx.msk [tilespmem:v2+s30+$0x0], $0xffff;
	[tilespmem:s20+$0x180] =	vst v26  }
0x232: {  	[tilespmem:s21+$0x100] =	vst v10  }
0x233: {  	[tilespmem:s20+$0x100] =	vst v9  }
0x234: {  	v63 =	vld.idx.msk [tilespmem:v0+s30+$0x0], $0xffff;
	[tilespmem:s15+$0x180] =	vst v21  }
0x235: {  	[tilespmem:s15+$0x100] =	vst v6  }
0x236: {  	[tilespmem:s21+$0x200] =	vst v27  }
0x237: {  	[tilespmem:s20+$0x200] =	vst v53  }
0x238: {  	[tilespmem:s15+$0x200] =	vst v54  }
0x239: {  	[tilespmem:s21+$0x280] =	vst v55  }
0x23a: {  	[tilespmem:s20+$0x280] =	vst v56  }
0x23b: {  	[tilespmem:s15+$0x280] =	vst v57  }
0x23c: {  	[tilespmem:s21+$0x300] =	vst v58  }
0x23d: {  	[tilespmem:s20+$0x300] =	vst v59  }
0x23e: {  	[tilespmem:s15+$0x300] =	vst v60  }
0x23f: {  	[tilespmem:s21+$0x380] =	vst v61  }
0x240: {  	[tilespmem:s20+$0x380] =	vst v62  }
0x241: {  	[tilespmem:s15+$0x380] =	vst v63  }
0x242: {  	[tilespmem:s19+$0x380] =	vst v7  }
0x243: {  	[tilespmem:s18+$0x380] =	vst v17  }
0x244: {  	[tilespmem:s21+$0x0] =	vst v8  }
0x245: {  	[tilespmem:s21+$0x80] =	vst v20  }
0x246: {  	[tilespmem:s20+$0x0] =	vst v18  }
0x247: {  	[tilespmem:s20+$0x80] =	vst v19  }
0x248: {  	s31 =	rddreg [dreg:$0xf];
	[tilespmem:s14+$0x380] =	vst v3  }
0x249: {  	p1 =	sne.s32 s31, $0x0;
	s8 =	rddreg [dreg:$0xe];
	[tilespmem:s15+$0x0] =	vst v4  }
0x24a: {  	s0 =	sshll.u32 @!p1 s8, $0x10;
	s1 =	rddreg [dreg:$0xa];
	s2 =	simm.s32 @!p1 $0x20000  }
0x24b: {  	[tilespmem:s15+$0x80] =	vst v5;
	s3 =	simm.s32 @!p1 $0x15E00;
	s0 =	sadd.s32 @!p1 s0, s1;
	s1 =	simm.s32 @!p1 $0x800  }
0x24c: {  	[hbm4b:s0+s1] =	stream.strided.scatter @!p1 [tilespmem:s3], [sflag:$0x1], $0x4000, s2, s1, $0x38;
	[tilespmem:$0x1DE00] =	vst v63  }
0x24d: {  	s0 =	sshll.u32 @p0 s8, $0x10;
	s1 =	rddreg [dreg:$0xb]  }
0x24e: {  	s2 =	simm.s32 @p0 $0x20000;
	s3 =	simm.s32 @p0 $0x19E00;
	s0 =	sand.u32 @p0 $0x7E0000, s0  }
0x24f: {  	s8 =	sadd.s32 $0x1, s8;
	s0 =	sadd.s32 @p0 s0, s1;
	s1 =	simm.s32 @p0 $0x800  }
0x250: {  	[hbm4b:s0+s1] =	stream.strided.scatter @p0 [tilespmem:s3], [sflag:$0x2], $0x4000, s2, s1, $0x38;
	[tilespmem:$0x1DE00] =	vst v63  }
0x251: {  	p0 =	sne.s32 s8, $0x64  }
.Ltmp1:
0x252: {  	s12 =	simm.s32 $0x0;
	s16 =	simm.s32 $0x7D0;
	(pc) =	sbr.rel @p0 .LBB2_2-.Ltmp1, $4  }
0x253: {  	s5 =	simm.s32 $0x1B58;
	s6 =	simm.s32 $0x1F40;
	s7 =	simm.s32 $0x2328  }
0x254: {  	s10 =	simm.s32 $0x2710;
	s11 =	simm.s32 $0x2AF8;
	s17 =	simm.s32 $0x2EE0  }
0x255: {  	s4 =	simm.s32 $0x5DC0;
	s18 =	simm.s32 $0xBB8;
	s19 =	simm.s32 $0xFA0  }
0x256: {  	s20 =	simm.s32 $0x1388;
	s21 =	simm.s32 $0x1770;
	s14 =	simm.s32 $0x3E8  }
0x257: {  	s0 =	simm.s32 $0x1  }
0x258: {  	_ =	swait.ge [sflag:s0], $0x4000  }
0x259: {  	[sflag:s0] =	ssyncset.done $0x0  }
0x25a: {  	s1 =	simm.s32 $0x2;
	[sflag:s0] =	ssyncadd.s32 $0xFFFFC000  }
0x25b: {  	_ =	swait.ge [sflag:s1], $0x4000  }
0x25c: {  	s2 =	rddreg [dreg:$0xd]  }
0x25d: {  	s31 =	rddreg [dreg:$0xc];
	s2 =	sadd.s32 $0x1, s2  }
0x25e: {  	p0 =	sne.s32 s2, s31  }
.Ltmp2:
0x25f: {  	_ = 	snop;
	(pc) =	sbr.rel @p0 .LBB2_1-.Ltmp2, $3  }
0x260: {  	_ =	sdelay $0x1  }
0x261: {  	[sflag:s1] =	ssyncset.done $0x0  }
0x262: {  	[sflag:s1] =	ssyncadd.s32 $0xFFFFC000  }
0x263: {  	_ =	sfence.sel $0x180000  }
0x264: {  	[bflag:$0x0] =	sbarrier.arrive $0xFFFF  }
0x265: {  	_ =	strace $0x90000047  }
0x266: {  	s0 =	stileid.u32;
	[bflag:$0x2] =	sbarrier.arrive $0xFFFF  }
0x267: {  	p0 =	sne.s32 s0, $0x0;
	s0 =	rddreg [dreg:$0x2]  }
0x268: {  	s0 =	sadd.s32 @!p0 $0x100000, s0  }
0x269: {  	[sflag:s0] =	ssyncadd.tile.s32 @!p0 $0x1;
	_ =	shalt  }
.Lfunc_end2:
_tile_overlayer_lowered:
.L_overlay_start_2:
0x26a: {  	(tag) =	ssettag $0x2  }
0x26b: {  	s0 =	rddreg [dreg:$0x0];
	s2 =	stileid.u32  }
0x26c: {  	s1 =	rddreg [dreg:$0x1];
	p0 =	sne.s32 s2, $0x0  }
0x26d: {  	s3 =	rddreg [dreg:$0x2];
	[bflag:$0x3] =	sbarrier.arrive $0xFFFF;
	s2 =	simm.s32 @!p0 $0x1C03  }
0x26e: {  	[timem:s3], [sflag:s2] =	dma.local @!p0 [hbm:s0], s1  }
0x26f: {  	s0 =	simm.s32 @!p0 $0x3  }
0x270: {  	_ =	swait.ge @!p0 [sflag:s0], s1  }
0x271: {  	s1 =	ssub.s32 @!p0 $0x0, s1;
	[sflag:s0] =	ssyncset.done @!p0 $0x0  }
0x272: {  	[sflag:s0] =	ssyncadd.s32 @!p0 s1  }
0x273: {  	[bflag:$0x3] =	sbarrier.arrive $0xFFFF  }
0x274: {  	_ =	shalt  }

</sc_bundles>
